<compile_context>
chip_gen: v7x
topology: tpu7x:2x2x1
jax: 0.10.2.dev20260603
libtpu: 0.0.44.dev20260713+nightly
codegen_flags: <defaults>
</compile_context>

<pallas_src>
import functools

import jax
import jax.numpy as jnp
from jax import lax
from jax.experimental import pallas as pl
from jax.experimental.pallas import tpu as pltpu
from jax.experimental.pallas import tpu_sc as plsc

N = 10000
E = 320000
F = 128
H = 256
C = 64

NC = 2
NS = 16
B = 128
CH = 160
GK = 16
EP = NS * CH * B
EROWS = EP // B

NP = 10240
NPS = NP // NS
TRASH = 10016

RB = 640
NB = NP // RB

_mesh = plsc.VectorSubcoreMesh(core_axis_name="c", subcore_axis_name="s")


@functools.partial(
    pl.kernel,
    out_type=jax.ShapeDtypeStruct((2 * NP,), jnp.float32),
    mesh=_mesh,
    scratch_types=[
        pltpu.VMEM((CH, B), jnp.int32),
        pltpu.VMEM((B,), jnp.float32),
        pltpu.VMEM_SHARED((NP,), jnp.float32),
    ],
)
def _deg_kernel(eidx_hbm, ones_hbm, zeros_hbm, deg_hbm, idx_v, ones_v, acc_sh):
    cid = lax.axis_index("c")
    sid = lax.axis_index("s")

    pltpu.sync_copy(ones_hbm, ones_v)
    pltpu.sync_copy(zeros_hbm, acc_sh.at[pl.ds(sid * NPS, NPS)])
    pltpu.sync_copy(eidx_hbm.at[pl.ds(cid * EROWS + sid * CH, CH)], idx_v)
    plsc.subcore_barrier()

    @pl.loop(0, CH)
    def _(i):
        pltpu.sync_copy(ones_v, acc_sh.at[idx_v.at[i]], add=True)

    plsc.subcore_barrier()
    pltpu.sync_copy(acc_sh.at[pl.ds(sid * NPS, NPS)],
                    deg_hbm.at[pl.ds(cid * NP + sid * NPS, NPS)])


@functools.partial(
    pl.kernel,
    out_type=jax.ShapeDtypeStruct((2 * NP, F), jnp.float32),
    mesh=_mesh,
    scratch_types=[
        pltpu.VMEM((GK, B), jnp.int32),
        pltpu.VMEM((GK, B), jnp.int32),
        pltpu.VMEM((B, F), jnp.float32),
        pltpu.VMEM((B, F), jnp.float32),
        pltpu.VMEM_SHARED((NP, F), jnp.float32),
        pltpu.SemaphoreType.DMA,
        pltpu.SemaphoreType.DMA,
    ],
)
def _scatter_kernel(h_hbm, src_hbm, dst_hbm, zeros_hbm, out_hbm,
                    sidx_v, didx_v, rows0, rows1, acc_sh, gsem0, gsem1):
    cid = lax.axis_index("c")
    sid = lax.axis_index("s")

    pltpu.sync_copy(zeros_hbm, acc_sh.at[pl.ds(sid * NPS, NPS)])
    plsc.subcore_barrier()

    @pl.loop(0, CH // GK)
    def _(g):
        base = sid * CH + g * GK
        pltpu.sync_copy(src_hbm.at[pl.ds(cid * EROWS + base, GK)], sidx_v)
        pltpu.sync_copy(dst_hbm.at[pl.ds(base, GK)], didx_v)

        pltpu.async_copy(h_hbm.at[sidx_v.at[0]], rows0, gsem0)
        pltpu.async_copy(h_hbm.at[sidx_v.at[1]], rows1, gsem1)

        @pl.loop(0, GK, step=2)
        def _(i):
            pltpu.make_async_copy(h_hbm.at[sidx_v.at[i]], rows0, gsem0).wait()
            s0 = pltpu.async_copy(rows0, acc_sh.at[didx_v.at[i]], gsem0,
                                  add=True)
            pltpu.make_async_copy(h_hbm.at[sidx_v.at[i + 1]], rows1,
                                  gsem1).wait()
            s1 = pltpu.async_copy(rows1, acc_sh.at[didx_v.at[i + 1]], gsem1,
                                  add=True)
            s0.wait()

            @pl.when(i + 2 < GK)
            def _():
                pltpu.async_copy(h_hbm.at[sidx_v.at[i + 2]], rows0, gsem0)

            s1.wait()

            @pl.when(i + 3 < GK)
            def _():
                pltpu.async_copy(h_hbm.at[sidx_v.at[i + 3]], rows1, gsem1)

    plsc.subcore_barrier()
    pltpu.sync_copy(acc_sh.at[pl.ds(sid * NPS, NPS)],
                    out_hbm.at[pl.ds(cid * NP + sid * NPS, NPS)])


def _norm(deg_col):
    return lax.rsqrt(jnp.clip(deg_col, 1.0, None))


def _k1_body(x_ref, w_ref, dego_ref, o_ref):
    h = jnp.dot(x_ref[...], w_ref[...], preferred_element_type=jnp.float32)
    o_ref[...] = h * _norm(dego_ref[...])


def _k1(x_pad, W1, deg_out):
    return pl.pallas_call(
        _k1_body,
        grid=(2, NB),
        in_specs=[
            pl.BlockSpec((RB, F), lambda j, i: (i, 0)),
            pl.BlockSpec((F, F), lambda j, i: (0, j)),
            pl.BlockSpec((RB, 1), lambda j, i: (i, 0)),
        ],
        out_specs=pl.BlockSpec((RB, F), lambda j, i: (j * NB + i, 0)),
        out_shape=jax.ShapeDtypeStruct((2 * NP, F), jnp.float32),
    )(x_pad, W1, deg_out)


def _k2_body(alo_ref, ahi_ref, dego_ref, degi_ref, b1_ref, w2_ref, o_ref):
    nd = _norm(degi_ref[...])
    ns = _norm(dego_ref[...])
    t_lo = jax.nn.relu(alo_ref[...] * nd + b1_ref[0:1, :F]) * ns
    t_hi = jax.nn.relu(ahi_ref[...] * nd + b1_ref[0:1, F:]) * ns
    o_ref[...] = (jnp.dot(t_lo, w2_ref[:F, :], preferred_element_type=jnp.float32)
                  + jnp.dot(t_hi, w2_ref[F:, :], preferred_element_type=jnp.float32))


def _k2(agg, deg_out, deg_in, b1r, W2):
    return pl.pallas_call(
        _k2_body,
        grid=(2, NB),
        in_specs=[
            pl.BlockSpec((RB, F), lambda j, i: (i, 0)),
            pl.BlockSpec((RB, F), lambda j, i: (NB + i, 0)),
            pl.BlockSpec((RB, 1), lambda j, i: (i, 0)),
            pl.BlockSpec((RB, 1), lambda j, i: (i, 0)),
            pl.BlockSpec((1, H), lambda j, i: (0, 0)),
            pl.BlockSpec((H, F), lambda j, i: (0, j)),
        ],
        out_specs=pl.BlockSpec((RB, F), lambda j, i: (j * NB + i, 0)),
        out_shape=jax.ShapeDtypeStruct((2 * NP, F), jnp.float32),
    )(agg, agg, deg_out, deg_in, b1r, W2)


def _k3_body(alo_ref, ahi_ref, degi_ref, b2_ref, wfc_ref, bfc_ref,
             out_ref, acc_ref):
    i = pl.program_id(0)

    @pl.when(i == 0)
    def _():
        acc_ref[...] = jnp.zeros_like(acc_ref)

    nd = _norm(degi_ref[...])
    rows = i * RB + lax.broadcasted_iota(jnp.int32, (RB, 1), 0)
    valid = (rows < N).astype(jnp.float32)
    z_lo = jax.nn.relu(alo_ref[...] * nd + b2_ref[0:1, :F]) * valid
    z_hi = jax.nn.relu(ahi_ref[...] * nd + b2_ref[0:1, F:]) * valid
    acc_ref[0:1, :F] += jnp.sum(z_lo, axis=0, keepdims=True)
    acc_ref[0:1, F:] += jnp.sum(z_hi, axis=0, keepdims=True)

    @pl.when(i == NB - 1)
    def _():
        hg = acc_ref[...] * (1.0 / N)
        out_ref[...] = (jnp.dot(hg, wfc_ref[...],
                                preferred_element_type=jnp.float32)
                        + bfc_ref[...])


def _k3(agg, deg_in, b2r, Wfc, bfcr):
    return pl.pallas_call(
        _k3_body,
        grid=(NB,),
        in_specs=[
            pl.BlockSpec((RB, F), lambda i: (i, 0)),
            pl.BlockSpec((RB, F), lambda i: (NB + i, 0)),
            pl.BlockSpec((RB, 1), lambda i: (i, 0)),
            pl.BlockSpec((1, H), lambda i: (0, 0)),
            pl.BlockSpec((H, C), lambda i: (0, 0)),
            pl.BlockSpec((1, C), lambda i: (0, 0)),
        ],
        out_specs=pl.BlockSpec((1, C), lambda i: (0, 0)),
        out_shape=jax.ShapeDtypeStruct((1, C), jnp.float32),
        scratch_shapes=[pltpu.VMEM((1, H), jnp.float32)],
    )(agg, agg, deg_in, b2r, Wfc, bfcr)


def kernel(x, edge_index, W1, b1, W2, b2, Wfc, bfc):
    src = edge_index[0]
    dst = edge_index[1]
    pad = jnp.full((EP - E,), TRASH, jnp.int32)
    src_p = jnp.concatenate([src, pad]).reshape(EROWS, B)
    dst_p = jnp.concatenate([dst, pad]).reshape(EROWS, B)
    src_s = jnp.concatenate([src_p, src_p + NP], axis=0)
    eidx_s = jnp.concatenate([src_p, dst_p], axis=0)

    x_pad = jnp.pad(x, ((0, NP - N), (0, 0)))
    ones1 = jnp.ones((B,), jnp.float32)
    zeros1 = jnp.zeros((NPS,), jnp.float32)
    zerosF = jnp.zeros((NPS, F), jnp.float32)

    degs = _deg_kernel(eidx_s, ones1, zeros1)
    deg_out = degs[:NP].reshape(NP, 1)
    deg_in = degs[NP:].reshape(NP, 1)

    h1 = _k1(x_pad, W1, deg_out)
    a1 = _scatter_kernel(h1, src_s, dst_p, zerosF)

    h2 = _k2(a1, deg_out, deg_in, b1.reshape(1, H), W2)
    a2 = _scatter_kernel(h2, src_s, dst_p, zerosF)

    out = _k3(a2, deg_in, b2.reshape(1, H), Wfc, bfc.reshape(1, C))
    return out.reshape(C)

# --- scband reference (transcript-rebuilt; emitter-appended) ---
"""Pipeline reference for scband-graph-network-75058848465160 (READ-ONLY COPY).

The authoritative reference and input builder live on the scoring server;
editing this copy changes nothing except your own understanding.
"""

import jax, jax.numpy as jnp
import numpy as np

N_NODES = 10000
N_EDGES = 320000
IN_FEATS = 128
HIDDEN = 256
NUM_CLASSES = 64


def graph_conv(x, edge_index, W, b, n_nodes):
    # DGL GraphConv with norm='both': D_dst^{-1/2} A D_src^{-1/2} X W + b
    src = edge_index[0]
    dst = edge_index[1]
    ones = jnp.ones((edge_index.shape[1],), dtype=x.dtype)
    deg_out = jnp.zeros((n_nodes,), dtype=x.dtype).at[src].add(ones)
    deg_in = jnp.zeros((n_nodes,), dtype=x.dtype).at[dst].add(ones)
    norm_src = jax.lax.rsqrt(jnp.clip(deg_out, 1.0, None))
    norm_dst = jax.lax.rsqrt(jnp.clip(deg_in, 1.0, None))
    h = x * norm_src[:, None]
    h = h @ W
    msgs = jnp.take(h, src, axis=0)
    agg = jax.ops.segment_sum(msgs, dst, num_segments=n_nodes)
    agg = agg * norm_dst[:, None]
    return agg + b


def setup_inputs(seed: int = 0) -> dict:
    key = jax.random.key(seed)
    ks = jax.random.split(key, 8)
    x = jax.random.normal(ks[0], (N_NODES, IN_FEATS), dtype=jnp.float32)
    edge_index = jax.random.randint(ks[1], (2, N_EDGES), 0, N_NODES, dtype=jnp.int32)
    W1 = jax.random.normal(ks[2], (IN_FEATS, HIDDEN), dtype=jnp.float32) * (1.0 / np.sqrt(IN_FEATS))
    b1 = jnp.zeros((HIDDEN,), dtype=jnp.float32)
    W2 = jax.random.normal(ks[3], (HIDDEN, HIDDEN), dtype=jnp.float32) * (1.0 / np.sqrt(HIDDEN))
    b2 = jnp.zeros((HIDDEN,), dtype=jnp.float32)
    Wfc = jax.random.normal(ks[4], (HIDDEN, NUM_CLASSES), dtype=jnp.float32) * (1.0 / np.sqrt(HIDDEN))
    bfc = jnp.zeros((NUM_CLASSES,), dtype=jnp.float32)
    return {"x": x, "edge_index": edge_index, "W1": W1, "b1": b1, "W2": W2, "b2": b2, "Wfc": Wfc, "bfc": bfc}


def reference(x, edge_index, W1, b1, W2, b2, Wfc, bfc):
    h = jax.nn.relu(graph_conv(x, edge_index, W1, b1, N_NODES))
    h = jax.nn.relu(graph_conv(h, edge_index, W2, b2, N_NODES))
    hg = jnp.mean(h, axis=0)  # dgl.mean_nodes over the single graph
    out = hg @ Wfc + bfc
    return out

if __name__ == "__main__":
    import jax
    _d = setup_inputs()
    print(jax.jit(kernel)(*tuple(_d.values())))

</pallas_src>

<mosaic_0001>
#map = affine_map<(d0, d1) -> (0, 0)>
#map1 = affine_map<(d0, d1) -> (0)>
module attributes {stable_mosaic.version = 14 : i64} {
  func.func @_deg_kernel(%arg0: i32, %arg1: i32, %arg2: memref<5120x128xi32, #tpu.memory_space<hbm>>, %arg3: memref<128xf32, #tpu.memory_space<hbm>>, %arg4: memref<640xf32, #tpu.memory_space<hbm>>, %arg5: memref<20480xf32, #tpu.memory_space<hbm>>, %arg6: memref<160x128xi32, #tpu.memory_space<vmem>>, %arg7: memref<128xf32, #tpu.memory_space<vmem>>, %arg8: memref<10240xf32, #tpu.memory_space<vmem_shared>>) attributes {dimension_semantics = [#tpu.dimension_semantics<core_parallel>, #tpu.dimension_semantics<subcore_parallel>], iteration_bounds = array<i64: 2, 16>, scalar_prefetch = 0 : i64, scratch_operands = 3 : i64, tpu.core_type = #tpu.core_type<sc_vector_subcore>, window_params = [{transform_indices = #map}, {transform_indices = #map1}, {transform_indices = #map1}, {transform_indices = #map1}]} {
    "tpu.region"() ({
      %run_scoped3A = tpu.sem_alloc : memref<!tpu.dma_semaphore, #tpu.memory_space<semaphore_mem>>
      tpu.enqueue_dma source(%arg3 : memref<128xf32, #tpu.memory_space<hbm>>) target(%arg7 : memref<128xf32, #tpu.memory_space<vmem>>) target_semaphore(%run_scoped3A : memref<!tpu.dma_semaphore, #tpu.memory_space<semaphore_mem>>)
      tpu.wait_dma2 semaphore(%run_scoped3A : memref<!tpu.dma_semaphore, #tpu.memory_space<semaphore_mem>>) src(%arg3 : memref<128xf32, #tpu.memory_space<hbm>>) dst(%arg7 : memref<128xf32, #tpu.memory_space<vmem>>)
      tpu.yield
    }) : () -> ()
    %mul3A = arith.constant 640 : i32
    %mul3A_0 = arith.muli %arg1, %mul3A : i32
    "tpu.region"() ({
      %run_scoped3A = tpu.sem_alloc : memref<!tpu.dma_semaphore, #tpu.memory_space<semaphore_mem>>
      %dma_start3A = tpu.memref_slice %arg8[%mul3A_0] : memref<10240xf32, #tpu.memory_space<vmem_shared>> -> memref<640xf32, #tpu.memory_space<vmem_shared>>
      tpu.enqueue_dma source(%arg4 : memref<640xf32, #tpu.memory_space<hbm>>) target(%dma_start3A : memref<640xf32, #tpu.memory_space<vmem_shared>>) target_semaphore(%run_scoped3A : memref<!tpu.dma_semaphore, #tpu.memory_space<semaphore_mem>>)
      %dma_wait3A = tpu.memref_slice %arg8[%mul3A_0] : memref<10240xf32, #tpu.memory_space<vmem_shared>> -> memref<640xf32, #tpu.memory_space<vmem_shared>>
      tpu.wait_dma2 semaphore(%run_scoped3A : memref<!tpu.dma_semaphore, #tpu.memory_space<semaphore_mem>>) src(%arg4 : memref<640xf32, #tpu.memory_space<hbm>>) dst(%dma_wait3A : memref<640xf32, #tpu.memory_space<vmem_shared>>)
      tpu.yield
    }) : () -> ()
    %mul3A_1 = arith.constant 2560 : i32
    %mul3A_2 = arith.muli %arg0, %mul3A_1 : i32
    %mul3A_3 = arith.constant 160 : i32
    %mul3A_4 = arith.muli %arg1, %mul3A_3 : i32
    %add3A = arith.addi %mul3A_2, %mul3A_4 : i32
    "tpu.region"() ({
      %run_scoped3A = tpu.sem_alloc : memref<!tpu.dma_semaphore, #tpu.memory_space<semaphore_mem>>
      %dma_start3A = arith.constant 0 : i32
      %dma_start3A_17 = tpu.memref_slice %arg2[%add3A, %dma_start3A] : memref<5120x128xi32, #tpu.memory_space<hbm>> -> memref<160x128xi32, #tpu.memory_space<hbm>>
      %dma_start3A_18 = arith.constant 0 : i32
      %dma_start3A_19 = tpu.memref_slice %arg2[%add3A, %dma_start3A_18] : memref<5120x128xi32, #tpu.memory_space<hbm>> -> memref<160x128xi32, #tpu.memory_space<hbm>>
      tpu.enqueue_dma source(%dma_start3A_19 : memref<160x128xi32, #tpu.memory_space<hbm>>) target(%arg6 : memref<160x128xi32, #tpu.memory_space<vmem>>) target_semaphore(%run_scoped3A : memref<!tpu.dma_semaphore, #tpu.memory_space<semaphore_mem>>)
      %dma_wait3A = arith.constant 0 : i32
      %dma_wait3A_20 = tpu.memref_slice %arg2[%add3A, %dma_wait3A] : memref<5120x128xi32, #tpu.memory_space<hbm>> -> memref<160x128xi32, #tpu.memory_space<hbm>>
      %dma_wait3A_21 = arith.constant 0 : i32
      %dma_wait3A_22 = tpu.memref_slice %arg2[%add3A, %dma_wait3A_21] : memref<5120x128xi32, #tpu.memory_space<hbm>> -> memref<160x128xi32, #tpu.memory_space<hbm>>
      tpu.wait_dma2 semaphore(%run_scoped3A : memref<!tpu.dma_semaphore, #tpu.memory_space<semaphore_mem>>) src(%dma_wait3A_22 : memref<160x128xi32, #tpu.memory_space<hbm>>) dst(%arg6 : memref<160x128xi32, #tpu.memory_space<vmem>>)
      tpu.yield
    }) : () -> ()
    %barrier3A = arith.constant 0 : index
    tpu.barrier barrier_id(%barrier3A)
    %scan3A = arith.constant 0 : i32
    %scan3A_5 = arith.constant 160 : i32
    %scan3A_6 = arith.addi %scan3A, %scan3A_5 : i32
    %scan3A_7 = arith.constant 1 : i32
    scf.for %scan3A_17 = %scan3A to %scan3A_6 step %scan3A_7  : i32 {
      %mul3A_18 = arith.constant 1 : i32
      %mul3A_19 = arith.muli %scan3A_17, %mul3A_18 : i32
      %add3A_20 = arith.constant 0 : i32
      %add3A_21 = arith.addi %add3A_20, %mul3A_19 : i32
      "tpu.region"() ({
        %run_scoped3A = tpu.sem_alloc : memref<!tpu.dma_semaphore, #tpu.memory_space<semaphore_mem>>
        %dma_start3A = arith.constant 0 : i32
        %dma_start3A_22 = tpu.memref_slice %arg6[%add3A_21, %dma_start3A] : memref<160x128xi32, #tpu.memory_space<vmem>> -> memref<1x128xi32, #tpu.memory_space<vmem>>
        %dma_start3A_23 = tpu.memref_squeeze %dma_start3A_22 : memref<1x128xi32, #tpu.memory_space<vmem>> -> memref<128xi32, #tpu.memory_space<vmem>>
        %dma_start3A_24 = arith.constant 0 : i32
        %dma_start3A_25 = tpu.memref_slice %arg8[%dma_start3A_24] : memref<10240xf32, #tpu.memory_space<vmem_shared>> -> memref<10240xf32, #tpu.memory_space<vmem_shared>>
        tpu.enqueue_indirect_dma source(%arg7 : memref<128xf32, #tpu.memory_space<vmem>>) target(%dma_start3A_25 : memref<10240xf32, #tpu.memory_space<vmem_shared>>) offsets(%dma_start3A_23 : memref<128xi32, #tpu.memory_space<vmem>>) semaphore(%run_scoped3A : memref<!tpu.dma_semaphore, #tpu.memory_space<semaphore_mem>>) {add = true}
        %dma_wait3A = arith.constant 0 : i32
        %dma_wait3A_26 = tpu.memref_slice %arg6[%add3A_21, %dma_wait3A] : memref<160x128xi32, #tpu.memory_space<vmem>> -> memref<1x128xi32, #tpu.memory_space<vmem>>
        %dma_wait3A_27 = tpu.memref_squeeze %dma_wait3A_26 : memref<1x128xi32, #tpu.memory_space<vmem>> -> memref<128xi32, #tpu.memory_space<vmem>>
        %dma_wait3A_28 = arith.constant 0 : i32
        %dma_wait3A_29 = tpu.memref_slice %arg8[%dma_wait3A_28] : memref<10240xf32, #tpu.memory_space<vmem_shared>> -> memref<10240xf32, #tpu.memory_space<vmem_shared>>
        tpu.wait_indirect_dma semaphore(%run_scoped3A : memref<!tpu.dma_semaphore, #tpu.memory_space<semaphore_mem>>) src(%arg7 : memref<128xf32, #tpu.memory_space<vmem>>) dst(%dma_wait3A_29 : memref<10240xf32, #tpu.memory_space<vmem_shared>>)
        tpu.yield
      }) : () -> ()
    }
    %scan3A_8 = arith.constant 160 : i32
    %barrier3A_9 = arith.constant 0 : index
    tpu.barrier barrier_id(%barrier3A_9)
    %mul3A_10 = arith.constant 640 : i32
    %mul3A_11 = arith.muli %arg1, %mul3A_10 : i32
    %mul3A_12 = arith.constant 10240 : i32
    %mul3A_13 = arith.muli %arg0, %mul3A_12 : i32
    %mul3A_14 = arith.constant 640 : i32
    %mul3A_15 = arith.muli %arg1, %mul3A_14 : i32
    %add3A_16 = arith.addi %mul3A_13, %mul3A_15 : i32
    "tpu.region"() ({
      %run_scoped3A = tpu.sem_alloc : memref<!tpu.dma_semaphore, #tpu.memory_space<semaphore_mem>>
      %dma_start3A = tpu.memref_slice %arg5[%add3A_16] : memref<20480xf32, #tpu.memory_space<hbm>> -> memref<640xf32, #tpu.memory_space<hbm>>
      %dma_start3A_17 = tpu.memref_slice %arg8[%mul3A_11] : memref<10240xf32, #tpu.memory_space<vmem_shared>> -> memref<640xf32, #tpu.memory_space<vmem_shared>>
      tpu.enqueue_dma source(%dma_start3A_17 : memref<640xf32, #tpu.memory_space<vmem_shared>>) target(%dma_start3A : memref<640xf32, #tpu.memory_space<hbm>>) target_semaphore(%run_scoped3A : memref<!tpu.dma_semaphore, #tpu.memory_space<semaphore_mem>>)
      %dma_wait3A = tpu.memref_slice %arg5[%add3A_16] : memref<20480xf32, #tpu.memory_space<hbm>> -> memref<640xf32, #tpu.memory_space<hbm>>
      %dma_wait3A_18 = tpu.memref_slice %arg8[%mul3A_11] : memref<10240xf32, #tpu.memory_space<vmem_shared>> -> memref<640xf32, #tpu.memory_space<vmem_shared>>
      tpu.wait_dma2 semaphore(%run_scoped3A : memref<!tpu.dma_semaphore, #tpu.memory_space<semaphore_mem>>) src(%dma_wait3A_18 : memref<640xf32, #tpu.memory_space<vmem_shared>>) dst(%dma_wait3A : memref<640xf32, #tpu.memory_space<hbm>>)
      tpu.yield
    }) : () -> ()
    return
  }
}

#map = affine_map<(d0, d1) -> (0, 0)>
module attributes {stable_mosaic.version = 14 : i64} {
  func.func @_scatter_kernel(%arg0: i32, %arg1: i32, %arg2: memref<20480x128xf32, #tpu.memory_space<hbm>>, %arg3: memref<5120x128xi32, #tpu.memory_space<hbm>>, %arg4: memref<2560x128xi32, #tpu.memory_space<hbm>>, %arg5: memref<640x128xf32, #tpu.memory_space<hbm>>, %arg6: memref<20480x128xf32, #tpu.memory_space<hbm>>, %arg7: memref<16x128xi32, #tpu.memory_space<vmem>>, %arg8: memref<16x128xi32, #tpu.memory_space<vmem>>, %arg9: memref<128x128xf32, #tpu.memory_space<vmem>>, %arg10: memref<128x128xf32, #tpu.memory_space<vmem>>, %arg11: memref<10240x128xf32, #tpu.memory_space<vmem_shared>>, %arg12: memref<!tpu.dma_semaphore, #tpu.memory_space<semaphore_mem>>, %arg13: memref<!tpu.dma_semaphore, #tpu.memory_space<semaphore_mem>>) attributes {dimension_semantics = [#tpu.dimension_semantics<core_parallel>, #tpu.dimension_semantics<subcore_parallel>], iteration_bounds = array<i64: 2, 16>, scalar_prefetch = 0 : i64, scratch_operands = 7 : i64, tpu.core_type = #tpu.core_type<sc_vector_subcore>, window_params = [{transform_indices = #map}, {transform_indices = #map}, {transform_indices = #map}, {transform_indices = #map}, {transform_indices = #map}]} {
    %mul3A = arith.constant 640 : i32
    %mul3A_0 = arith.muli %arg1, %mul3A : i32
    "tpu.region"() ({
      %run_scoped3A = tpu.sem_alloc : memref<!tpu.dma_semaphore, #tpu.memory_space<semaphore_mem>>
      %dma_start3A = arith.constant 0 : i32
      %dma_start3A_12 = tpu.memref_slice %arg11[%mul3A_0, %dma_start3A] : memref<10240x128xf32, #tpu.memory_space<vmem_shared>> -> memref<640x128xf32, #tpu.memory_space<vmem_shared>>
      tpu.enqueue_dma source(%arg5 : memref<640x128xf32, #tpu.memory_space<hbm>>) target(%dma_start3A_12 : memref<640x128xf32, #tpu.memory_space<vmem_shared>>) target_semaphore(%run_scoped3A : memref<!tpu.dma_semaphore, #tpu.memory_space<semaphore_mem>>)
      %dma_wait3A = arith.constant 0 : i32
      %dma_wait3A_13 = tpu.memref_slice %arg11[%mul3A_0, %dma_wait3A] : memref<10240x128xf32, #tpu.memory_space<vmem_shared>> -> memref<640x128xf32, #tpu.memory_space<vmem_shared>>
      tpu.wait_dma2 semaphore(%run_scoped3A : memref<!tpu.dma_semaphore, #tpu.memory_space<semaphore_mem>>) src(%arg5 : memref<640x128xf32, #tpu.memory_space<hbm>>) dst(%dma_wait3A_13 : memref<640x128xf32, #tpu.memory_space<vmem_shared>>)
      tpu.yield
    }) : () -> ()
    %barrier3A = arith.constant 0 : index
    tpu.barrier barrier_id(%barrier3A)
    %scan3A = arith.constant 0 : i32
    %scan3A_1 = arith.constant 10 : i32
    %scan3A_2 = arith.addi %scan3A, %scan3A_1 : i32
    %scan3A_3 = arith.constant 1 : i32
    scf.for %scan3A_12 = %scan3A to %scan3A_2 step %scan3A_3  : i32 {
      %mul3A_13 = arith.constant 1 : i32
      %mul3A_14 = arith.muli %scan3A_12, %mul3A_13 : i32
      %add3A_15 = arith.constant 0 : i32
      %add3A_16 = arith.addi %add3A_15, %mul3A_14 : i32
      %mul3A_17 = arith.constant 160 : i32
      %mul3A_18 = arith.muli %arg1, %mul3A_17 : i32
      %mul3A_19 = arith.constant 16 : i32
      %mul3A_20 = arith.muli %add3A_16, %mul3A_19 : i32
      %add3A_21 = arith.addi %mul3A_18, %mul3A_20 : i32
      %mul3A_22 = arith.constant 2560 : i32
      %mul3A_23 = arith.muli %arg0, %mul3A_22 : i32
      %add3A_24 = arith.addi %mul3A_23, %add3A_21 : i32
      "tpu.region"() ({
        %run_scoped3A = tpu.sem_alloc : memref<!tpu.dma_semaphore, #tpu.memory_space<semaphore_mem>>
        %dma_start3A_43 = arith.constant 0 : i32
        %dma_start3A_44 = tpu.memref_slice %arg3[%add3A_24, %dma_start3A_43] : memref<5120x128xi32, #tpu.memory_space<hbm>> -> memref<16x128xi32, #tpu.memory_space<hbm>>
        %dma_start3A_45 = arith.constant 0 : i32
        %dma_start3A_46 = tpu.memref_slice %arg3[%add3A_24, %dma_start3A_45] : memref<5120x128xi32, #tpu.memory_space<hbm>> -> memref<16x128xi32, #tpu.memory_space<hbm>>
        tpu.enqueue_dma source(%dma_start3A_46 : memref<16x128xi32, #tpu.memory_space<hbm>>) target(%arg7 : memref<16x128xi32, #tpu.memory_space<vmem>>) target_semaphore(%run_scoped3A : memref<!tpu.dma_semaphore, #tpu.memory_space<semaphore_mem>>)
        %dma_wait3A = arith.constant 0 : i32
        %dma_wait3A_47 = tpu.memref_slice %arg3[%add3A_24, %dma_wait3A] : memref<5120x128xi32, #tpu.memory_space<hbm>> -> memref<16x128xi32, #tpu.memory_space<hbm>>
        %dma_wait3A_48 = arith.constant 0 : i32
        %dma_wait3A_49 = tpu.memref_slice %arg3[%add3A_24, %dma_wait3A_48] : memref<5120x128xi32, #tpu.memory_space<hbm>> -> memref<16x128xi32, #tpu.memory_space<hbm>>
        tpu.wait_dma2 semaphore(%run_scoped3A : memref<!tpu.dma_semaphore, #tpu.memory_space<semaphore_mem>>) src(%dma_wait3A_49 : memref<16x128xi32, #tpu.memory_space<hbm>>) dst(%arg7 : memref<16x128xi32, #tpu.memory_space<vmem>>)
        tpu.yield
      }) : () -> ()
      "tpu.region"() ({
        %run_scoped3A = tpu.sem_alloc : memref<!tpu.dma_semaphore, #tpu.memory_space<semaphore_mem>>
        %dma_start3A_43 = arith.constant 0 : i32
        %dma_start3A_44 = tpu.memref_slice %arg4[%add3A_21, %dma_start3A_43] : memref<2560x128xi32, #tpu.memory_space<hbm>> -> memref<16x128xi32, #tpu.memory_space<hbm>>
        %dma_start3A_45 = arith.constant 0 : i32
        %dma_start3A_46 = tpu.memref_slice %arg4[%add3A_21, %dma_start3A_45] : memref<2560x128xi32, #tpu.memory_space<hbm>> -> memref<16x128xi32, #tpu.memory_space<hbm>>
        tpu.enqueue_dma source(%dma_start3A_46 : memref<16x128xi32, #tpu.memory_space<hbm>>) target(%arg8 : memref<16x128xi32, #tpu.memory_space<vmem>>) target_semaphore(%run_scoped3A : memref<!tpu.dma_semaphore, #tpu.memory_space<semaphore_mem>>)
        %dma_wait3A = arith.constant 0 : i32
        %dma_wait3A_47 = tpu.memref_slice %arg4[%add3A_21, %dma_wait3A] : memref<2560x128xi32, #tpu.memory_space<hbm>> -> memref<16x128xi32, #tpu.memory_space<hbm>>
        %dma_wait3A_48 = arith.constant 0 : i32
        %dma_wait3A_49 = tpu.memref_slice %arg4[%add3A_21, %dma_wait3A_48] : memref<2560x128xi32, #tpu.memory_space<hbm>> -> memref<16x128xi32, #tpu.memory_space<hbm>>
        tpu.wait_dma2 semaphore(%run_scoped3A : memref<!tpu.dma_semaphore, #tpu.memory_space<semaphore_mem>>) src(%dma_wait3A_49 : memref<16x128xi32, #tpu.memory_space<hbm>>) dst(%arg8 : memref<16x128xi32, #tpu.memory_space<vmem>>)
        tpu.yield
      }) : () -> ()
      %dma_start3A = arith.constant 0 : i32
      %dma_start3A_25 = arith.constant 0 : i32
      %dma_start3A_26 = tpu.memref_slice %arg7[%dma_start3A, %dma_start3A_25] : memref<16x128xi32, #tpu.memory_space<vmem>> -> memref<1x128xi32, #tpu.memory_space<vmem>>
      %dma_start3A_27 = tpu.memref_squeeze %dma_start3A_26 : memref<1x128xi32, #tpu.memory_space<vmem>> -> memref<128xi32, #tpu.memory_space<vmem>>
      %dma_start3A_28 = arith.constant 0 : i32
      %dma_start3A_29 = arith.constant 0 : i32
      %dma_start3A_30 = tpu.memref_slice %arg2[%dma_start3A_28, %dma_start3A_29] : memref<20480x128xf32, #tpu.memory_space<hbm>> -> memref<20480x128xf32, #tpu.memory_space<hbm>>
      tpu.enqueue_indirect_dma source(%dma_start3A_30 : memref<20480x128xf32, #tpu.memory_space<hbm>>) target(%arg9 : memref<128x128xf32, #tpu.memory_space<vmem>>) offsets(%dma_start3A_27 : memref<128xi32, #tpu.memory_space<vmem>>) semaphore(%arg12 : memref<!tpu.dma_semaphore, #tpu.memory_space<semaphore_mem>>)
      %dma_start3A_31 = arith.constant 1 : i32
      %dma_start3A_32 = arith.constant 0 : i32
      %dma_start3A_33 = tpu.memref_slice %arg7[%dma_start3A_31, %dma_start3A_32] : memref<16x128xi32, #tpu.memory_space<vmem>> -> memref<1x128xi32, #tpu.memory_space<vmem>>
      %dma_start3A_34 = tpu.memref_squeeze %dma_start3A_33 : memref<1x128xi32, #tpu.memory_space<vmem>> -> memref<128xi32, #tpu.memory_space<vmem>>
      %dma_start3A_35 = arith.constant 0 : i32
      %dma_start3A_36 = arith.constant 0 : i32
      %dma_start3A_37 = tpu.memref_slice %arg2[%dma_start3A_35, %dma_start3A_36] : memref<20480x128xf32, #tpu.memory_space<hbm>> -> memref<20480x128xf32, #tpu.memory_space<hbm>>
      tpu.enqueue_indirect_dma source(%dma_start3A_37 : memref<20480x128xf32, #tpu.memory_space<hbm>>) target(%arg10 : memref<128x128xf32, #tpu.memory_space<vmem>>) offsets(%dma_start3A_34 : memref<128xi32, #tpu.memory_space<vmem>>) semaphore(%arg13 : memref<!tpu.dma_semaphore, #tpu.memory_space<semaphore_mem>>)
      %scan3A_38 = arith.constant 0 : i32
      %scan3A_39 = arith.constant 8 : i32
      %scan3A_40 = arith.addi %scan3A_38, %scan3A_39 : i32
      %scan3A_41 = arith.constant 1 : i32
      scf.for %scan3A_43 = %scan3A_38 to %scan3A_40 step %scan3A_41  : i32 {
        %mul3A_44 = arith.constant 2 : i32
        %mul3A_45 = arith.muli %scan3A_43, %mul3A_44 : i32
        %add3A_46 = arith.constant 0 : i32
        %add3A_47 = arith.addi %add3A_46, %mul3A_45 : i32
        %dma_wait3A = arith.constant 0 : i32
        %dma_wait3A_48 = tpu.memref_slice %arg7[%add3A_47, %dma_wait3A] : memref<16x128xi32, #tpu.memory_space<vmem>> -> memref<1x128xi32, #tpu.memory_space<vmem>>
        %dma_wait3A_49 = tpu.memref_squeeze %dma_wait3A_48 : memref<1x128xi32, #tpu.memory_space<vmem>> -> memref<128xi32, #tpu.memory_space<vmem>>
        %dma_wait3A_50 = arith.constant 0 : i32
        %dma_wait3A_51 = arith.constant 0 : i32
        %dma_wait3A_52 = tpu.memref_slice %arg2[%dma_wait3A_50, %dma_wait3A_51] : memref<20480x128xf32, #tpu.memory_space<hbm>> -> memref<20480x128xf32, #tpu.memory_space<hbm>>
        tpu.wait_indirect_dma semaphore(%arg12 : memref<!tpu.dma_semaphore, #tpu.memory_space<semaphore_mem>>) src(%dma_wait3A_52 : memref<20480x128xf32, #tpu.memory_space<hbm>>) dst(%arg9 : memref<128x128xf32, #tpu.memory_space<vmem>>)
        %dma_start3A_53 = arith.constant 0 : i32
        %dma_start3A_54 = tpu.memref_slice %arg8[%add3A_47, %dma_start3A_53] : memref<16x128xi32, #tpu.memory_space<vmem>> -> memref<1x128xi32, #tpu.memory_space<vmem>>
        %dma_start3A_55 = tpu.memref_squeeze %dma_start3A_54 : memref<1x128xi32, #tpu.memory_space<vmem>> -> memref<128xi32, #tpu.memory_space<vmem>>
        %dma_start3A_56 = arith.constant 0 : i32
        %dma_start3A_57 = arith.constant 0 : i32
        %dma_start3A_58 = tpu.memref_slice %arg11[%dma_start3A_56, %dma_start3A_57] : memref<10240x128xf32, #tpu.memory_space<vmem_shared>> -> memref<10240x128xf32, #tpu.memory_space<vmem_shared>>
        tpu.enqueue_indirect_dma source(%arg9 : memref<128x128xf32, #tpu.memory_space<vmem>>) target(%dma_start3A_58 : memref<10240x128xf32, #tpu.memory_space<vmem_shared>>) offsets(%dma_start3A_55 : memref<128xi32, #tpu.memory_space<vmem>>) semaphore(%arg12 : memref<!tpu.dma_semaphore, #tpu.memory_space<semaphore_mem>>) {add = true}
        %add3A_59 = arith.constant 1 : i32
        %add3A_60 = arith.addi %add3A_47, %add3A_59 : i32
        %dma_wait3A_61 = arith.constant 0 : i32
        %dma_wait3A_62 = tpu.memref_slice %arg7[%add3A_60, %dma_wait3A_61] : memref<16x128xi32, #tpu.memory_space<vmem>> -> memref<1x128xi32, #tpu.memory_space<vmem>>
        %dma_wait3A_63 = tpu.memref_squeeze %dma_wait3A_62 : memref<1x128xi32, #tpu.memory_space<vmem>> -> memref<128xi32, #tpu.memory_space<vmem>>
        %dma_wait3A_64 = arith.constant 0 : i32
        %dma_wait3A_65 = arith.constant 0 : i32
        %dma_wait3A_66 = tpu.memref_slice %arg2[%dma_wait3A_64, %dma_wait3A_65] : memref<20480x128xf32, #tpu.memory_space<hbm>> -> memref<20480x128xf32, #tpu.memory_space<hbm>>
        tpu.wait_indirect_dma semaphore(%arg13 : memref<!tpu.dma_semaphore, #tpu.memory_space<semaphore_mem>>) src(%dma_wait3A_66 : memref<20480x128xf32, #tpu.memory_space<hbm>>) dst(%arg10 : memref<128x128xf32, #tpu.memory_space<vmem>>)
        %add3A_67 = arith.constant 1 : i32
        %add3A_68 = arith.addi %add3A_47, %add3A_67 : i32
        %dma_start3A_69 = arith.constant 0 : i32
        %dma_start3A_70 = tpu.memref_slice %arg8[%add3A_68, %dma_start3A_69] : memref<16x128xi32, #tpu.memory_space<vmem>> -> memref<1x128xi32, #tpu.memory_space<vmem>>
        %dma_start3A_71 = tpu.memref_squeeze %dma_start3A_70 : memref<1x128xi32, #tpu.memory_space<vmem>> -> memref<128xi32, #tpu.memory_space<vmem>>
        %dma_start3A_72 = arith.constant 0 : i32
        %dma_start3A_73 = arith.constant 0 : i32
        %dma_start3A_74 = tpu.memref_slice %arg11[%dma_start3A_72, %dma_start3A_73] : memref<10240x128xf32, #tpu.memory_space<vmem_shared>> -> memref<10240x128xf32, #tpu.memory_space<vmem_shared>>
        tpu.enqueue_indirect_dma source(%arg10 : memref<128x128xf32, #tpu.memory_space<vmem>>) target(%dma_start3A_74 : memref<10240x128xf32, #tpu.memory_space<vmem_shared>>) offsets(%dma_start3A_71 : memref<128xi32, #tpu.memory_space<vmem>>) semaphore(%arg13 : memref<!tpu.dma_semaphore, #tpu.memory_space<semaphore_mem>>) {add = true}
        %dma_wait3A_75 = arith.constant 0 : i32
        %dma_wait3A_76 = tpu.memref_slice %arg8[%add3A_47, %dma_wait3A_75] : memref<16x128xi32, #tpu.memory_space<vmem>> -> memref<1x128xi32, #tpu.memory_space<vmem>>
        %dma_wait3A_77 = tpu.memref_squeeze %dma_wait3A_76 : memref<1x128xi32, #tpu.memory_space<vmem>> -> memref<128xi32, #tpu.memory_space<vmem>>
        %dma_wait3A_78 = arith.constant 0 : i32
        %dma_wait3A_79 = arith.constant 0 : i32
        %dma_wait3A_80 = tpu.memref_slice %arg11[%dma_wait3A_78, %dma_wait3A_79] : memref<10240x128xf32, #tpu.memory_space<vmem_shared>> -> memref<10240x128xf32, #tpu.memory_space<vmem_shared>>
        tpu.wait_indirect_dma semaphore(%arg12 : memref<!tpu.dma_semaphore, #tpu.memory_space<semaphore_mem>>) src(%arg9 : memref<128x128xf32, #tpu.memory_space<vmem>>) dst(%dma_wait3A_80 : memref<10240x128xf32, #tpu.memory_space<vmem_shared>>)
        %add3A_81 = arith.constant 2 : i32
        %add3A_82 = arith.addi %add3A_47, %add3A_81 : i32
        %lt3A = arith.constant 16 : i32
        %lt3A_83 = arith.cmpi slt, %add3A_82, %lt3A : i32
        %convert_element_type3A = arith.extui %lt3A_83 : i1 to i32
        %cond3A = arith.constant 0 : i32
        %cond3A_84 = arith.cmpi ne, %convert_element_type3A, %cond3A : i32
        scf.if %cond3A_84 {
          %add3A_98 = arith.constant 2 : i32
          %add3A_99 = arith.addi %add3A_47, %add3A_98 : i32
          %dma_start3A_100 = arith.constant 0 : i32
          %dma_start3A_101 = tpu.memref_slice %arg7[%add3A_99, %dma_start3A_100] : memref<16x128xi32, #tpu.memory_space<vmem>> -> memref<1x128xi32, #tpu.memory_space<vmem>>
          %dma_start3A_102 = tpu.memref_squeeze %dma_start3A_101 : memref<1x128xi32, #tpu.memory_space<vmem>> -> memref<128xi32, #tpu.memory_space<vmem>>
          %dma_start3A_103 = arith.constant 0 : i32
          %dma_start3A_104 = arith.constant 0 : i32
          %dma_start3A_105 = tpu.memref_slice %arg2[%dma_start3A_103, %dma_start3A_104] : memref<20480x128xf32, #tpu.memory_space<hbm>> -> memref<20480x128xf32, #tpu.memory_space<hbm>>
          tpu.enqueue_indirect_dma source(%dma_start3A_105 : memref<20480x128xf32, #tpu.memory_space<hbm>>) target(%arg9 : memref<128x128xf32, #tpu.memory_space<vmem>>) offsets(%dma_start3A_102 : memref<128xi32, #tpu.memory_space<vmem>>) semaphore(%arg12 : memref<!tpu.dma_semaphore, #tpu.memory_space<semaphore_mem>>)
        } else {
        }
        %dma_wait3A_85 = arith.constant 0 : i32
        %dma_wait3A_86 = tpu.memref_slice %arg8[%add3A_68, %dma_wait3A_85] : memref<16x128xi32, #tpu.memory_space<vmem>> -> memref<1x128xi32, #tpu.memory_space<vmem>>
        %dma_wait3A_87 = tpu.memref_squeeze %dma_wait3A_86 : memref<1x128xi32, #tpu.memory_space<vmem>> -> memref<128xi32, #tpu.memory_space<vmem>>
        %dma_wait3A_88 = arith.constant 0 : i32
        %dma_wait3A_89 = arith.constant 0 : i32
        %dma_wait3A_90 = tpu.memref_slice %arg11[%dma_wait3A_88, %dma_wait3A_89] : memref<10240x128xf32, #tpu.memory_space<vmem_shared>> -> memref<10240x128xf32, #tpu.memory_space<vmem_shared>>
        tpu.wait_indirect_dma semaphore(%arg13 : memref<!tpu.dma_semaphore, #tpu.memory_space<semaphore_mem>>) src(%arg10 : memref<128x128xf32, #tpu.memory_space<vmem>>) dst(%dma_wait3A_90 : memref<10240x128xf32, #tpu.memory_space<vmem_shared>>)
        %add3A_91 = arith.constant 3 : i32
        %add3A_92 = arith.addi %add3A_47, %add3A_91 : i32
        %lt3A_93 = arith.constant 16 : i32
        %lt3A_94 = arith.cmpi slt, %add3A_92, %lt3A_93 : i32
        %convert_element_type3A_95 = arith.extui %lt3A_94 : i1 to i32
        %cond3A_96 = arith.constant 0 : i32
        %cond3A_97 = arith.cmpi ne, %convert_element_type3A_95, %cond3A_96 : i32
        scf.if %cond3A_97 {
          %add3A_98 = arith.constant 3 : i32
          %add3A_99 = arith.addi %add3A_47, %add3A_98 : i32
          %dma_start3A_100 = arith.constant 0 : i32
          %dma_start3A_101 = tpu.memref_slice %arg7[%add3A_99, %dma_start3A_100] : memref<16x128xi32, #tpu.memory_space<vmem>> -> memref<1x128xi32, #tpu.memory_space<vmem>>
          %dma_start3A_102 = tpu.memref_squeeze %dma_start3A_101 : memref<1x128xi32, #tpu.memory_space<vmem>> -> memref<128xi32, #tpu.memory_space<vmem>>
          %dma_start3A_103 = arith.constant 0 : i32
          %dma_start3A_104 = arith.constant 0 : i32
          %dma_start3A_105 = tpu.memref_slice %arg2[%dma_start3A_103, %dma_start3A_104] : memref<20480x128xf32, #tpu.memory_space<hbm>> -> memref<20480x128xf32, #tpu.memory_space<hbm>>
          tpu.enqueue_indirect_dma source(%dma_start3A_105 : memref<20480x128xf32, #tpu.memory_space<hbm>>) target(%arg10 : memref<128x128xf32, #tpu.memory_space<vmem>>) offsets(%dma_start3A_102 : memref<128xi32, #tpu.memory_space<vmem>>) semaphore(%arg13 : memref<!tpu.dma_semaphore, #tpu.memory_space<semaphore_mem>>)
        } else {
        }
      }
      %scan3A_42 = arith.constant 8 : i32
    }
    %scan3A_4 = arith.constant 10 : i32
    %barrier3A_5 = arith.constant 0 : index
    tpu.barrier barrier_id(%barrier3A_5)
    %mul3A_6 = arith.constant 640 : i32
    %mul3A_7 = arith.muli %arg1, %mul3A_6 : i32
    %mul3A_8 = arith.constant 10240 : i32
    %mul3A_9 = arith.muli %arg0, %mul3A_8 : i32
    %mul3A_10 = arith.constant 640 : i32
    %mul3A_11 = arith.muli %arg1, %mul3A_10 : i32
    %add3A = arith.addi %mul3A_9, %mul3A_11 : i32
    "tpu.region"() ({
      %run_scoped3A = tpu.sem_alloc : memref<!tpu.dma_semaphore, #tpu.memory_space<semaphore_mem>>
      %dma_start3A = arith.constant 0 : i32
      %dma_start3A_12 = tpu.memref_slice %arg6[%add3A, %dma_start3A] : memref<20480x128xf32, #tpu.memory_space<hbm>> -> memref<640x128xf32, #tpu.memory_space<hbm>>
      %dma_start3A_13 = arith.constant 0 : i32
      %dma_start3A_14 = tpu.memref_slice %arg11[%mul3A_7, %dma_start3A_13] : memref<10240x128xf32, #tpu.memory_space<vmem_shared>> -> memref<640x128xf32, #tpu.memory_space<vmem_shared>>
      tpu.enqueue_dma source(%dma_start3A_14 : memref<640x128xf32, #tpu.memory_space<vmem_shared>>) target(%dma_start3A_12 : memref<640x128xf32, #tpu.memory_space<hbm>>) target_semaphore(%run_scoped3A : memref<!tpu.dma_semaphore, #tpu.memory_space<semaphore_mem>>)
      %dma_wait3A = arith.constant 0 : i32
      %dma_wait3A_15 = tpu.memref_slice %arg6[%add3A, %dma_wait3A] : memref<20480x128xf32, #tpu.memory_space<hbm>> -> memref<640x128xf32, #tpu.memory_space<hbm>>
      %dma_wait3A_16 = arith.constant 0 : i32
      %dma_wait3A_17 = tpu.memref_slice %arg11[%mul3A_7, %dma_wait3A_16] : memref<10240x128xf32, #tpu.memory_space<vmem_shared>> -> memref<640x128xf32, #tpu.memory_space<vmem_shared>>
      tpu.wait_dma2 semaphore(%run_scoped3A : memref<!tpu.dma_semaphore, #tpu.memory_space<semaphore_mem>>) src(%dma_wait3A_17 : memref<640x128xf32, #tpu.memory_space<vmem_shared>>) dst(%dma_wait3A_15 : memref<640x128xf32, #tpu.memory_space<hbm>>)
      tpu.yield
    }) : () -> ()
    return
  }
}

#map = affine_map<(d0, d1) -> (0, 0)>
module attributes {stable_mosaic.version = 14 : i64} {
  func.func @_scatter_kernel(%arg0: i32, %arg1: i32, %arg2: memref<20480x128xf32, #tpu.memory_space<hbm>>, %arg3: memref<5120x128xi32, #tpu.memory_space<hbm>>, %arg4: memref<2560x128xi32, #tpu.memory_space<hbm>>, %arg5: memref<640x128xf32, #tpu.memory_space<hbm>>, %arg6: memref<20480x128xf32, #tpu.memory_space<hbm>>, %arg7: memref<16x128xi32, #tpu.memory_space<vmem>>, %arg8: memref<16x128xi32, #tpu.memory_space<vmem>>, %arg9: memref<128x128xf32, #tpu.memory_space<vmem>>, %arg10: memref<128x128xf32, #tpu.memory_space<vmem>>, %arg11: memref<10240x128xf32, #tpu.memory_space<vmem_shared>>, %arg12: memref<!tpu.dma_semaphore, #tpu.memory_space<semaphore_mem>>, %arg13: memref<!tpu.dma_semaphore, #tpu.memory_space<semaphore_mem>>) attributes {dimension_semantics = [#tpu.dimension_semantics<core_parallel>, #tpu.dimension_semantics<subcore_parallel>], iteration_bounds = array<i64: 2, 16>, scalar_prefetch = 0 : i64, scratch_operands = 7 : i64, tpu.core_type = #tpu.core_type<sc_vector_subcore>, window_params = [{transform_indices = #map}, {transform_indices = #map}, {transform_indices = #map}, {transform_indices = #map}, {transform_indices = #map}]} {
    %mul3A = arith.constant 640 : i32
    %mul3A_0 = arith.muli %arg1, %mul3A : i32
    "tpu.region"() ({
      %run_scoped3A = tpu.sem_alloc : memref<!tpu.dma_semaphore, #tpu.memory_space<semaphore_mem>>
      %dma_start3A = arith.constant 0 : i32
      %dma_start3A_12 = tpu.memref_slice %arg11[%mul3A_0, %dma_start3A] : memref<10240x128xf32, #tpu.memory_space<vmem_shared>> -> memref<640x128xf32, #tpu.memory_space<vmem_shared>>
      tpu.enqueue_dma source(%arg5 : memref<640x128xf32, #tpu.memory_space<hbm>>) target(%dma_start3A_12 : memref<640x128xf32, #tpu.memory_space<vmem_shared>>) target_semaphore(%run_scoped3A : memref<!tpu.dma_semaphore, #tpu.memory_space<semaphore_mem>>)
      %dma_wait3A = arith.constant 0 : i32
      %dma_wait3A_13 = tpu.memref_slice %arg11[%mul3A_0, %dma_wait3A] : memref<10240x128xf32, #tpu.memory_space<vmem_shared>> -> memref<640x128xf32, #tpu.memory_space<vmem_shared>>
      tpu.wait_dma2 semaphore(%run_scoped3A : memref<!tpu.dma_semaphore, #tpu.memory_space<semaphore_mem>>) src(%arg5 : memref<640x128xf32, #tpu.memory_space<hbm>>) dst(%dma_wait3A_13 : memref<640x128xf32, #tpu.memory_space<vmem_shared>>)
      tpu.yield
    }) : () -> ()
    %barrier3A = arith.constant 0 : index
    tpu.barrier barrier_id(%barrier3A)
    %scan3A = arith.constant 0 : i32
    %scan3A_1 = arith.constant 10 : i32
    %scan3A_2 = arith.addi %scan3A, %scan3A_1 : i32
    %scan3A_3 = arith.constant 1 : i32
    scf.for %scan3A_12 = %scan3A to %scan3A_2 step %scan3A_3  : i32 {
      %mul3A_13 = arith.constant 1 : i32
      %mul3A_14 = arith.muli %scan3A_12, %mul3A_13 : i32
      %add3A_15 = arith.constant 0 : i32
      %add3A_16 = arith.addi %add3A_15, %mul3A_14 : i32
      %mul3A_17 = arith.constant 160 : i32
      %mul3A_18 = arith.muli %arg1, %mul3A_17 : i32
      %mul3A_19 = arith.constant 16 : i32
      %mul3A_20 = arith.muli %add3A_16, %mul3A_19 : i32
      %add3A_21 = arith.addi %mul3A_18, %mul3A_20 : i32
      %mul3A_22 = arith.constant 2560 : i32
      %mul3A_23 = arith.muli %arg0, %mul3A_22 : i32
      %add3A_24 = arith.addi %mul3A_23, %add3A_21 : i32
      "tpu.region"() ({
        %run_scoped3A = tpu.sem_alloc : memref<!tpu.dma_semaphore, #tpu.memory_space<semaphore_mem>>
        %dma_start3A_43 = arith.constant 0 : i32
        %dma_start3A_44 = tpu.memref_slice %arg3[%add3A_24, %dma_start3A_43] : memref<5120x128xi32, #tpu.memory_space<hbm>> -> memref<16x128xi32, #tpu.memory_space<hbm>>
        %dma_start3A_45 = arith.constant 0 : i32
        %dma_start3A_46 = tpu.memref_slice %arg3[%add3A_24, %dma_start3A_45] : memref<5120x128xi32, #tpu.memory_space<hbm>> -> memref<16x128xi32, #tpu.memory_space<hbm>>
        tpu.enqueue_dma source(%dma_start3A_46 : memref<16x128xi32, #tpu.memory_space<hbm>>) target(%arg7 : memref<16x128xi32, #tpu.memory_space<vmem>>) target_semaphore(%run_scoped3A : memref<!tpu.dma_semaphore, #tpu.memory_space<semaphore_mem>>)
        %dma_wait3A = arith.constant 0 : i32
        %dma_wait3A_47 = tpu.memref_slice %arg3[%add3A_24, %dma_wait3A] : memref<5120x128xi32, #tpu.memory_space<hbm>> -> memref<16x128xi32, #tpu.memory_space<hbm>>
        %dma_wait3A_48 = arith.constant 0 : i32
        %dma_wait3A_49 = tpu.memref_slice %arg3[%add3A_24, %dma_wait3A_48] : memref<5120x128xi32, #tpu.memory_space<hbm>> -> memref<16x128xi32, #tpu.memory_space<hbm>>
        tpu.wait_dma2 semaphore(%run_scoped3A : memref<!tpu.dma_semaphore, #tpu.memory_space<semaphore_mem>>) src(%dma_wait3A_49 : memref<16x128xi32, #tpu.memory_space<hbm>>) dst(%arg7 : memref<16x128xi32, #tpu.memory_space<vmem>>)
        tpu.yield
      }) : () -> ()
      "tpu.region"() ({
        %run_scoped3A = tpu.sem_alloc : memref<!tpu.dma_semaphore, #tpu.memory_space<semaphore_mem>>
        %dma_start3A_43 = arith.constant 0 : i32
        %dma_start3A_44 = tpu.memref_slice %arg4[%add3A_21, %dma_start3A_43] : memref<2560x128xi32, #tpu.memory_space<hbm>> -> memref<16x128xi32, #tpu.memory_space<hbm>>
        %dma_start3A_45 = arith.constant 0 : i32
        %dma_start3A_46 = tpu.memref_slice %arg4[%add3A_21, %dma_start3A_45] : memref<2560x128xi32, #tpu.memory_space<hbm>> -> memref<16x128xi32, #tpu.memory_space<hbm>>
        tpu.enqueue_dma source(%dma_start3A_46 : memref<16x128xi32, #tpu.memory_space<hbm>>) target(%arg8 : memref<16x128xi32, #tpu.memory_space<vmem>>) target_semaphore(%run_scoped3A : memref<!tpu.dma_semaphore, #tpu.memory_space<semaphore_mem>>)
        %dma_wait3A = arith.constant 0 : i32
        %dma_wait3A_47 = tpu.memref_slice %arg4[%add3A_21, %dma_wait3A] : memref<2560x128xi32, #tpu.memory_space<hbm>> -> memref<16x128xi32, #tpu.memory_space<hbm>>
        %dma_wait3A_48 = arith.constant 0 : i32
        %dma_wait3A_49 = tpu.memref_slice %arg4[%add3A_21, %dma_wait3A_48] : memref<2560x128xi32, #tpu.memory_space<hbm>> -> memref<16x128xi32, #tpu.memory_space<hbm>>
        tpu.wait_dma2 semaphore(%run_scoped3A : memref<!tpu.dma_semaphore, #tpu.memory_space<semaphore_mem>>) src(%dma_wait3A_49 : memref<16x128xi32, #tpu.memory_space<hbm>>) dst(%arg8 : memref<16x128xi32, #tpu.memory_space<vmem>>)
        tpu.yield
      }) : () -> ()
      %dma_start3A = arith.constant 0 : i32
      %dma_start3A_25 = arith.constant 0 : i32
      %dma_start3A_26 = tpu.memref_slice %arg7[%dma_start3A, %dma_start3A_25] : memref<16x128xi32, #tpu.memory_space<vmem>> -> memref<1x128xi32, #tpu.memory_space<vmem>>
      %dma_start3A_27 = tpu.memref_squeeze %dma_start3A_26 : memref<1x128xi32, #tpu.memory_space<vmem>> -> memref<128xi32, #tpu.memory_space<vmem>>
      %dma_start3A_28 = arith.constant 0 : i32
      %dma_start3A_29 = arith.constant 0 : i32
      %dma_start3A_30 = tpu.memref_slice %arg2[%dma_start3A_28, %dma_start3A_29] : memref<20480x128xf32, #tpu.memory_space<hbm>> -> memref<20480x128xf32, #tpu.memory_space<hbm>>
      tpu.enqueue_indirect_dma source(%dma_start3A_30 : memref<20480x128xf32, #tpu.memory_space<hbm>>) target(%arg9 : memref<128x128xf32, #tpu.memory_space<vmem>>) offsets(%dma_start3A_27 : memref<128xi32, #tpu.memory_space<vmem>>) semaphore(%arg12 : memref<!tpu.dma_semaphore, #tpu.memory_space<semaphore_mem>>)
      %dma_start3A_31 = arith.constant 1 : i32
      %dma_start3A_32 = arith.constant 0 : i32
      %dma_start3A_33 = tpu.memref_slice %arg7[%dma_start3A_31, %dma_start3A_32] : memref<16x128xi32, #tpu.memory_space<vmem>> -> memref<1x128xi32, #tpu.memory_space<vmem>>
      %dma_start3A_34 = tpu.memref_squeeze %dma_start3A_33 : memref<1x128xi32, #tpu.memory_space<vmem>> -> memref<128xi32, #tpu.memory_space<vmem>>
      %dma_start3A_35 = arith.constant 0 : i32
      %dma_start3A_36 = arith.constant 0 : i32
      %dma_start3A_37 = tpu.memref_slice %arg2[%dma_start3A_35, %dma_start3A_36] : memref<20480x128xf32, #tpu.memory_space<hbm>> -> memref<20480x128xf32, #tpu.memory_space<hbm>>
      tpu.enqueue_indirect_dma source(%dma_start3A_37 : memref<20480x128xf32, #tpu.memory_space<hbm>>) target(%arg10 : memref<128x128xf32, #tpu.memory_space<vmem>>) offsets(%dma_start3A_34 : memref<128xi32, #tpu.memory_space<vmem>>) semaphore(%arg13 : memref<!tpu.dma_semaphore, #tpu.memory_space<semaphore_mem>>)
      %scan3A_38 = arith.constant 0 : i32
      %scan3A_39 = arith.constant 8 : i32
      %scan3A_40 = arith.addi %scan3A_38, %scan3A_39 : i32
      %scan3A_41 = arith.constant 1 : i32
      scf.for %scan3A_43 = %scan3A_38 to %scan3A_40 step %scan3A_41  : i32 {
        %mul3A_44 = arith.constant 2 : i32
        %mul3A_45 = arith.muli %scan3A_43, %mul3A_44 : i32
        %add3A_46 = arith.constant 0 : i32
        %add3A_47 = arith.addi %add3A_46, %mul3A_45 : i32
        %dma_wait3A = arith.constant 0 : i32
        %dma_wait3A_48 = tpu.memref_slice %arg7[%add3A_47, %dma_wait3A] : memref<16x128xi32, #tpu.memory_space<vmem>> -> memref<1x128xi32, #tpu.memory_space<vmem>>
        %dma_wait3A_49 = tpu.memref_squeeze %dma_wait3A_48 : memref<1x128xi32, #tpu.memory_space<vmem>> -> memref<128xi32, #tpu.memory_space<vmem>>
        %dma_wait3A_50 = arith.constant 0 : i32
        %dma_wait3A_51 = arith.constant 0 : i32
        %dma_wait3A_52 = tpu.memref_slice %arg2[%dma_wait3A_50, %dma_wait3A_51] : memref<20480x128xf32, #tpu.memory_space<hbm>> -> memref<20480x128xf32, #tpu.memory_space<hbm>>
        tpu.wait_indirect_dma semaphore(%arg12 : memref<!tpu.dma_semaphore, #tpu.memory_space<semaphore_mem>>) src(%dma_wait3A_52 : memref<20480x128xf32, #tpu.memory_space<hbm>>) dst(%arg9 : memref<128x128xf32, #tpu.memory_space<vmem>>)
        %dma_start3A_53 = arith.constant 0 : i32
        %dma_start3A_54 = tpu.memref_slice %arg8[%add3A_47, %dma_start3A_53] : memref<16x128xi32, #tpu.memory_space<vmem>> -> memref<1x128xi32, #tpu.memory_space<vmem>>
        %dma_start3A_55 = tpu.memref_squeeze %dma_start3A_54 : memref<1x128xi32, #tpu.memory_space<vmem>> -> memref<128xi32, #tpu.memory_space<vmem>>
        %dma_start3A_56 = arith.constant 0 : i32
        %dma_start3A_57 = arith.constant 0 : i32
        %dma_start3A_58 = tpu.memref_slice %arg11[%dma_start3A_56, %dma_start3A_57] : memref<10240x128xf32, #tpu.memory_space<vmem_shared>> -> memref<10240x128xf32, #tpu.memory_space<vmem_shared>>
        tpu.enqueue_indirect_dma source(%arg9 : memref<128x128xf32, #tpu.memory_space<vmem>>) target(%dma_start3A_58 : memref<10240x128xf32, #tpu.memory_space<vmem_shared>>) offsets(%dma_start3A_55 : memref<128xi32, #tpu.memory_space<vmem>>) semaphore(%arg12 : memref<!tpu.dma_semaphore, #tpu.memory_space<semaphore_mem>>) {add = true}
        %add3A_59 = arith.constant 1 : i32
        %add3A_60 = arith.addi %add3A_47, %add3A_59 : i32
        %dma_wait3A_61 = arith.constant 0 : i32
        %dma_wait3A_62 = tpu.memref_slice %arg7[%add3A_60, %dma_wait3A_61] : memref<16x128xi32, #tpu.memory_space<vmem>> -> memref<1x128xi32, #tpu.memory_space<vmem>>
        %dma_wait3A_63 = tpu.memref_squeeze %dma_wait3A_62 : memref<1x128xi32, #tpu.memory_space<vmem>> -> memref<128xi32, #tpu.memory_space<vmem>>
        %dma_wait3A_64 = arith.constant 0 : i32
        %dma_wait3A_65 = arith.constant 0 : i32
        %dma_wait3A_66 = tpu.memref_slice %arg2[%dma_wait3A_64, %dma_wait3A_65] : memref<20480x128xf32, #tpu.memory_space<hbm>> -> memref<20480x128xf32, #tpu.memory_space<hbm>>
        tpu.wait_indirect_dma semaphore(%arg13 : memref<!tpu.dma_semaphore, #tpu.memory_space<semaphore_mem>>) src(%dma_wait3A_66 : memref<20480x128xf32, #tpu.memory_space<hbm>>) dst(%arg10 : memref<128x128xf32, #tpu.memory_space<vmem>>)
        %add3A_67 = arith.constant 1 : i32
        %add3A_68 = arith.addi %add3A_47, %add3A_67 : i32
        %dma_start3A_69 = arith.constant 0 : i32
        %dma_start3A_70 = tpu.memref_slice %arg8[%add3A_68, %dma_start3A_69] : memref<16x128xi32, #tpu.memory_space<vmem>> -> memref<1x128xi32, #tpu.memory_space<vmem>>
        %dma_start3A_71 = tpu.memref_squeeze %dma_start3A_70 : memref<1x128xi32, #tpu.memory_space<vmem>> -> memref<128xi32, #tpu.memory_space<vmem>>
        %dma_start3A_72 = arith.constant 0 : i32
        %dma_start3A_73 = arith.constant 0 : i32
        %dma_start3A_74 = tpu.memref_slice %arg11[%dma_start3A_72, %dma_start3A_73] : memref<10240x128xf32, #tpu.memory_space<vmem_shared>> -> memref<10240x128xf32, #tpu.memory_space<vmem_shared>>
        tpu.enqueue_indirect_dma source(%arg10 : memref<128x128xf32, #tpu.memory_space<vmem>>) target(%dma_start3A_74 : memref<10240x128xf32, #tpu.memory_space<vmem_shared>>) offsets(%dma_start3A_71 : memref<128xi32, #tpu.memory_space<vmem>>) semaphore(%arg13 : memref<!tpu.dma_semaphore, #tpu.memory_space<semaphore_mem>>) {add = true}
        %dma_wait3A_75 = arith.constant 0 : i32
        %dma_wait3A_76 = tpu.memref_slice %arg8[%add3A_47, %dma_wait3A_75] : memref<16x128xi32, #tpu.memory_space<vmem>> -> memref<1x128xi32, #tpu.memory_space<vmem>>
        %dma_wait3A_77 = tpu.memref_squeeze %dma_wait3A_76 : memref<1x128xi32, #tpu.memory_space<vmem>> -> memref<128xi32, #tpu.memory_space<vmem>>
        %dma_wait3A_78 = arith.constant 0 : i32
        %dma_wait3A_79 = arith.constant 0 : i32
        %dma_wait3A_80 = tpu.memref_slice %arg11[%dma_wait3A_78, %dma_wait3A_79] : memref<10240x128xf32, #tpu.memory_space<vmem_shared>> -> memref<10240x128xf32, #tpu.memory_space<vmem_shared>>
        tpu.wait_indirect_dma semaphore(%arg12 : memref<!tpu.dma_semaphore, #tpu.memory_space<semaphore_mem>>) src(%arg9 : memref<128x128xf32, #tpu.memory_space<vmem>>) dst(%dma_wait3A_80 : memref<10240x128xf32, #tpu.memory_space<vmem_shared>>)
        %add3A_81 = arith.constant 2 : i32
        %add3A_82 = arith.addi %add3A_47, %add3A_81 : i32
        %lt3A = arith.constant 16 : i32
        %lt3A_83 = arith.cmpi slt, %add3A_82, %lt3A : i32
        %convert_element_type3A = arith.extui %lt3A_83 : i1 to i32
        %cond3A = arith.constant 0 : i32
        %cond3A_84 = arith.cmpi ne, %convert_element_type3A, %cond3A : i32
        scf.if %cond3A_84 {
          %add3A_98 = arith.constant 2 : i32
          %add3A_99 = arith.addi %add3A_47, %add3A_98 : i32
          %dma_start3A_100 = arith.constant 0 : i32
          %dma_start3A_101 = tpu.memref_slice %arg7[%add3A_99, %dma_start3A_100] : memref<16x128xi32, #tpu.memory_space<vmem>> -> memref<1x128xi32, #tpu.memory_space<vmem>>
          %dma_start3A_102 = tpu.memref_squeeze %dma_start3A_101 : memref<1x128xi32, #tpu.memory_space<vmem>> -> memref<128xi32, #tpu.memory_space<vmem>>
          %dma_start3A_103 = arith.constant 0 : i32
          %dma_start3A_104 = arith.constant 0 : i32
          %dma_start3A_105 = tpu.memref_slice %arg2[%dma_start3A_103, %dma_start3A_104] : memref<20480x128xf32, #tpu.memory_space<hbm>> -> memref<20480x128xf32, #tpu.memory_space<hbm>>
          tpu.enqueue_indirect_dma source(%dma_start3A_105 : memref<20480x128xf32, #tpu.memory_space<hbm>>) target(%arg9 : memref<128x128xf32, #tpu.memory_space<vmem>>) offsets(%dma_start3A_102 : memref<128xi32, #tpu.memory_space<vmem>>) semaphore(%arg12 : memref<!tpu.dma_semaphore, #tpu.memory_space<semaphore_mem>>)
        } else {
        }
        %dma_wait3A_85 = arith.constant 0 : i32
        %dma_wait3A_86 = tpu.memref_slice %arg8[%add3A_68, %dma_wait3A_85] : memref<16x128xi32, #tpu.memory_space<vmem>> -> memref<1x128xi32, #tpu.memory_space<vmem>>
        %dma_wait3A_87 = tpu.memref_squeeze %dma_wait3A_86 : memref<1x128xi32, #tpu.memory_space<vmem>> -> memref<128xi32, #tpu.memory_space<vmem>>
        %dma_wait3A_88 = arith.constant 0 : i32
        %dma_wait3A_89 = arith.constant 0 : i32
        %dma_wait3A_90 = tpu.memref_slice %arg11[%dma_wait3A_88, %dma_wait3A_89] : memref<10240x128xf32, #tpu.memory_space<vmem_shared>> -> memref<10240x128xf32, #tpu.memory_space<vmem_shared>>
        tpu.wait_indirect_dma semaphore(%arg13 : memref<!tpu.dma_semaphore, #tpu.memory_space<semaphore_mem>>) src(%arg10 : memref<128x128xf32, #tpu.memory_space<vmem>>) dst(%dma_wait3A_90 : memref<10240x128xf32, #tpu.memory_space<vmem_shared>>)
        %add3A_91 = arith.constant 3 : i32
        %add3A_92 = arith.addi %add3A_47, %add3A_91 : i32
        %lt3A_93 = arith.constant 16 : i32
        %lt3A_94 = arith.cmpi slt, %add3A_92, %lt3A_93 : i32
        %convert_element_type3A_95 = arith.extui %lt3A_94 : i1 to i32
        %cond3A_96 = arith.constant 0 : i32
        %cond3A_97 = arith.cmpi ne, %convert_element_type3A_95, %cond3A_96 : i32
        scf.if %cond3A_97 {
          %add3A_98 = arith.constant 3 : i32
          %add3A_99 = arith.addi %add3A_47, %add3A_98 : i32
          %dma_start3A_100 = arith.constant 0 : i32
          %dma_start3A_101 = tpu.memref_slice %arg7[%add3A_99, %dma_start3A_100] : memref<16x128xi32, #tpu.memory_space<vmem>> -> memref<1x128xi32, #tpu.memory_space<vmem>>
          %dma_start3A_102 = tpu.memref_squeeze %dma_start3A_101 : memref<1x128xi32, #tpu.memory_space<vmem>> -> memref<128xi32, #tpu.memory_space<vmem>>
          %dma_start3A_103 = arith.constant 0 : i32
          %dma_start3A_104 = arith.constant 0 : i32
          %dma_start3A_105 = tpu.memref_slice %arg2[%dma_start3A_103, %dma_start3A_104] : memref<20480x128xf32, #tpu.memory_space<hbm>> -> memref<20480x128xf32, #tpu.memory_space<hbm>>
          tpu.enqueue_indirect_dma source(%dma_start3A_105 : memref<20480x128xf32, #tpu.memory_space<hbm>>) target(%arg10 : memref<128x128xf32, #tpu.memory_space<vmem>>) offsets(%dma_start3A_102 : memref<128xi32, #tpu.memory_space<vmem>>) semaphore(%arg13 : memref<!tpu.dma_semaphore, #tpu.memory_space<semaphore_mem>>)
        } else {
        }
      }
      %scan3A_42 = arith.constant 8 : i32
    }
    %scan3A_4 = arith.constant 10 : i32
    %barrier3A_5 = arith.constant 0 : index
    tpu.barrier barrier_id(%barrier3A_5)
    %mul3A_6 = arith.constant 640 : i32
    %mul3A_7 = arith.muli %arg1, %mul3A_6 : i32
    %mul3A_8 = arith.constant 10240 : i32
    %mul3A_9 = arith.muli %arg0, %mul3A_8 : i32
    %mul3A_10 = arith.constant 640 : i32
    %mul3A_11 = arith.muli %arg1, %mul3A_10 : i32
    %add3A = arith.addi %mul3A_9, %mul3A_11 : i32
    "tpu.region"() ({
      %run_scoped3A = tpu.sem_alloc : memref<!tpu.dma_semaphore, #tpu.memory_space<semaphore_mem>>
      %dma_start3A = arith.constant 0 : i32
      %dma_start3A_12 = tpu.memref_slice %arg6[%add3A, %dma_start3A] : memref<20480x128xf32, #tpu.memory_space<hbm>> -> memref<640x128xf32, #tpu.memory_space<hbm>>
      %dma_start3A_13 = arith.constant 0 : i32
      %dma_start3A_14 = tpu.memref_slice %arg11[%mul3A_7, %dma_start3A_13] : memref<10240x128xf32, #tpu.memory_space<vmem_shared>> -> memref<640x128xf32, #tpu.memory_space<vmem_shared>>
      tpu.enqueue_dma source(%dma_start3A_14 : memref<640x128xf32, #tpu.memory_space<vmem_shared>>) target(%dma_start3A_12 : memref<640x128xf32, #tpu.memory_space<hbm>>) target_semaphore(%run_scoped3A : memref<!tpu.dma_semaphore, #tpu.memory_space<semaphore_mem>>)
      %dma_wait3A = arith.constant 0 : i32
      %dma_wait3A_15 = tpu.memref_slice %arg6[%add3A, %dma_wait3A] : memref<20480x128xf32, #tpu.memory_space<hbm>> -> memref<640x128xf32, #tpu.memory_space<hbm>>
      %dma_wait3A_16 = arith.constant 0 : i32
      %dma_wait3A_17 = tpu.memref_slice %arg11[%mul3A_7, %dma_wait3A_16] : memref<10240x128xf32, #tpu.memory_space<vmem_shared>> -> memref<640x128xf32, #tpu.memory_space<vmem_shared>>
      tpu.wait_dma2 semaphore(%run_scoped3A : memref<!tpu.dma_semaphore, #tpu.memory_space<semaphore_mem>>) src(%dma_wait3A_17 : memref<640x128xf32, #tpu.memory_space<vmem_shared>>) dst(%dma_wait3A_15 : memref<640x128xf32, #tpu.memory_space<hbm>>)
      tpu.yield
    }) : () -> ()
    return
  }
}

module attributes {stable_mosaic.version = 14 : i64} {
  func.func @_k1_body(%arg0: i32, %arg1: i32, %arg2: memref<640x128xf32, #tpu.memory_space<vmem>>, %arg3: memref<128x128xf32, #tpu.memory_space<vmem>>, %arg4: memref<640x1xf32, #tpu.memory_space<vmem>>, %arg5: memref<640x128xf32, #tpu.memory_space<vmem>>) attributes {dimension_semantics = [#tpu.dimension_semantics<arbitrary>, #tpu.dimension_semantics<arbitrary>], iteration_bounds = array<i64: 2, 16>, scalar_prefetch = 0 : i64, scratch_operands = 0 : i64, tpu.core_type = #tpu.core_type<tc>, window_params = [{transform_indices = @transform_0, window_bounds = array<i64: 640, 128>}, {transform_indices = @transform_1, window_bounds = array<i64: 128, 128>}, {transform_indices = @transform_2, window_bounds = array<i64: 640, 1>}, {transform_indices = @transform_3, window_bounds = array<i64: 640, 128>}]} {
    %get3A = arith.constant 0 : index
    %get3A_0 = arith.constant 0 : index
    %get3A_1 = vector.load %arg2[%get3A, %get3A_0] : memref<640x128xf32, #tpu.memory_space<vmem>>, vector<640x128xf32>
    %get3A_2 = arith.constant 0 : index
    %get3A_3 = arith.constant 0 : index
    %get3A_4 = vector.load %arg3[%get3A_2, %get3A_3] : memref<128x128xf32, #tpu.memory_space<vmem>>, vector<128x128xf32>
    %dot_general3A = arith.constant dense<0.000000e+00> : vector<640x128xf32>
    %dot_general3A_5 = tpu.matmul %get3A_1, %get3A_4, %dot_general3A {dimension_numbers = #tpu.dot_dimension_numbers<[1], [0], [0], [1], [0, 0, 1, 1], [], []>, transpose_lhs_hint = false} : vector<640x128xf32>, vector<128x128xf32>, vector<640x128xf32> -> vector<640x128xf32>
    %get3A_6 = arith.constant 0 : index
    %get3A_7 = arith.constant 0 : index
    %get3A_8 = vector.load %arg4[%get3A_6, %get3A_7] : memref<640x1xf32, #tpu.memory_space<vmem>>, vector<640x1xf32>
    %jit3A = arith.constant 1.000000e+00 : f32
    %max3A = vector.broadcast %jit3A : f32 to vector<640x1xf32>
    %max3A_9 = arith.maximumf %max3A, %get3A_8 : vector<640x1xf32>
    %rsqrt3A = math.rsqrt %max3A_9 : vector<640x1xf32>
    %mul3A = vector.broadcast %rsqrt3A : vector<640x1xf32> to vector<640x128xf32>
    %mul3A_10 = arith.mulf %dot_general3A_5, %mul3A : vector<640x128xf32>
    %swap3A = arith.constant 0 : index
    %swap3A_11 = arith.constant 0 : index
    %swap3A_12 = vector.load %arg5[%swap3A, %swap3A_11] : memref<640x128xf32, #tpu.memory_space<vmem>>, vector<640x128xf32>
    tpu.vector_store %arg5[%swap3A, %swap3A_11], %mul3A_10 {strides = array<i32>} : memref<640x128xf32, #tpu.memory_space<vmem>>, vector<640x128xf32>,
    return
  }
  func.func @transform_0(%arg0: i32, %arg1: i32) -> (i32, i32) {
    %c0_i32 = arith.constant 0 : i32
    %c0_i32_0 = arith.constant 0 : i32
    return %arg1, %c0_i32 : i32, i32
  }
  func.func @transform_1(%arg0: i32, %arg1: i32) -> (i32, i32) {
    %c0_i32 = arith.constant 0 : i32
    %c0_i32_0 = arith.constant 0 : i32
    return %c0_i32, %arg0 : i32, i32
  }
  func.func @transform_2(%arg0: i32, %arg1: i32) -> (i32, i32) {
    %c0_i32 = arith.constant 0 : i32
    %c0_i32_0 = arith.constant 0 : i32
    return %arg1, %c0_i32 : i32, i32
  }
  func.func @transform_3(%arg0: i32, %arg1: i32) -> (i32, i32) {
    %mul3A = arith.constant 16 : i32
    %mul3A_0 = arith.muli %arg0, %mul3A : i32
    %add3A = arith.addi %mul3A_0, %arg1 : i32
    %c0_i32 = arith.constant 0 : i32
    %c0_i32_1 = arith.constant 0 : i32
    return %add3A, %c0_i32 : i32, i32
  }
}

module attributes {stable_mosaic.version = 14 : i64} {
  func.func @_k2_body(%arg0: i32, %arg1: i32, %arg2: memref<640x128xf32, #tpu.memory_space<vmem>>, %arg3: memref<640x128xf32, #tpu.memory_space<vmem>>, %arg4: memref<640x1xf32, #tpu.memory_space<vmem>>, %arg5: memref<640x1xf32, #tpu.memory_space<vmem>>, %arg6: memref<1x256xf32, #tpu.memory_space<vmem>>, %arg7: memref<256x128xf32, #tpu.memory_space<vmem>>, %arg8: memref<640x128xf32, #tpu.memory_space<vmem>>) attributes {dimension_semantics = [#tpu.dimension_semantics<arbitrary>, #tpu.dimension_semantics<arbitrary>], iteration_bounds = array<i64: 2, 16>, scalar_prefetch = 0 : i64, scratch_operands = 0 : i64, tpu.core_type = #tpu.core_type<tc>, window_params = [{transform_indices = @transform_0, window_bounds = array<i64: 640, 128>}, {transform_indices = @transform_1, window_bounds = array<i64: 640, 128>}, {transform_indices = @transform_2, window_bounds = array<i64: 640, 1>}, {transform_indices = @transform_3, window_bounds = array<i64: 640, 1>}, {pipeline_mode = #tpu.pipeline_mode<synchronous>, transform_indices = @transform_4, window_bounds = array<i64: 1, 256>}, {transform_indices = @transform_5, window_bounds = array<i64: 256, 128>}, {transform_indices = @transform_6, window_bounds = array<i64: 640, 128>}]} {
    %get3A = arith.constant 0 : index
    %get3A_0 = arith.constant 0 : index
    %get3A_1 = vector.load %arg5[%get3A, %get3A_0] : memref<640x1xf32, #tpu.memory_space<vmem>>, vector<640x1xf32>
    %jit3A = arith.constant 1.000000e+00 : f32
    %max3A = vector.broadcast %jit3A : f32 to vector<640x1xf32>
    %max3A_2 = arith.maximumf %max3A, %get3A_1 : vector<640x1xf32>
    %rsqrt3A = math.rsqrt %max3A_2 : vector<640x1xf32>
    %get3A_3 = arith.constant 0 : index
    %get3A_4 = arith.constant 0 : index
    %get3A_5 = vector.load %arg4[%get3A_3, %get3A_4] : memref<640x1xf32, #tpu.memory_space<vmem>>, vector<640x1xf32>
    %jit3A_6 = arith.constant 1.000000e+00 : f32
    %max3A_7 = vector.broadcast %jit3A_6 : f32 to vector<640x1xf32>
    %max3A_8 = arith.maximumf %max3A_7, %get3A_5 : vector<640x1xf32>
    %rsqrt3A_9 = math.rsqrt %max3A_8 : vector<640x1xf32>
    %get3A_10 = arith.constant 0 : index
    %get3A_11 = arith.constant 0 : index
    %get3A_12 = vector.load %arg2[%get3A_10, %get3A_11] : memref<640x128xf32, #tpu.memory_space<vmem>>, vector<640x128xf32>
    %mul3A = vector.broadcast %rsqrt3A : vector<640x1xf32> to vector<640x128xf32>
    %mul3A_13 = arith.mulf %get3A_12, %mul3A : vector<640x128xf32>
    %get3A_14 = arith.constant 0 : index
    %get3A_15 = arith.constant 0 : index
    %get3A_16 = vector.load %arg6[%get3A_14, %get3A_15] : memref<1x256xf32, #tpu.memory_space<vmem>>, vector<1x128xf32>
    %add3A = vector.broadcast %get3A_16 : vector<1x128xf32> to vector<640x128xf32>
    %add3A_17 = arith.addf %mul3A_13, %add3A : vector<640x128xf32>
    %max3A_18 = arith.constant 0.000000e+00 : f32
    %max3A_19 = vector.broadcast %max3A_18 : f32 to vector<640x128xf32>
    %max3A_20 = arith.maximumf %add3A_17, %max3A_19 : vector<640x128xf32>
    %mul3A_21 = vector.broadcast %rsqrt3A_9 : vector<640x1xf32> to vector<640x128xf32>
    %mul3A_22 = arith.mulf %max3A_20, %mul3A_21 : vector<640x128xf32>
    %get3A_23 = arith.constant 0 : index
    %get3A_24 = arith.constant 0 : index
    %get3A_25 = vector.load %arg3[%get3A_23, %get3A_24] : memref<640x128xf32, #tpu.memory_space<vmem>>, vector<640x128xf32>
    %mul3A_26 = vector.broadcast %rsqrt3A : vector<640x1xf32> to vector<640x128xf32>
    %mul3A_27 = arith.mulf %get3A_25, %mul3A_26 : vector<640x128xf32>
    %get3A_28 = arith.constant 0 : index
    %get3A_29 = arith.constant 128 : index
    %get3A_30 = vector.load %arg6[%get3A_28, %get3A_29] : memref<1x256xf32, #tpu.memory_space<vmem>>, vector<1x128xf32>
    %add3A_31 = vector.broadcast %get3A_30 : vector<1x128xf32> to vector<640x128xf32>
    %add3A_32 = arith.addf %mul3A_27, %add3A_31 : vector<640x128xf32>
    %max3A_33 = arith.constant 0.000000e+00 : f32
    %max3A_34 = vector.broadcast %max3A_33 : f32 to vector<640x128xf32>
    %max3A_35 = arith.maximumf %add3A_32, %max3A_34 : vector<640x128xf32>
    %mul3A_36 = vector.broadcast %rsqrt3A_9 : vector<640x1xf32> to vector<640x128xf32>
    %mul3A_37 = arith.mulf %max3A_35, %mul3A_36 : vector<640x128xf32>
    %get3A_38 = arith.constant 0 : index
    %get3A_39 = arith.constant 0 : index
    %get3A_40 = vector.load %arg7[%get3A_38, %get3A_39] : memref<256x128xf32, #tpu.memory_space<vmem>>, vector<128x128xf32>
    %dot_general3A = arith.constant dense<0.000000e+00> : vector<640x128xf32>
    %dot_general3A_41 = tpu.matmul %mul3A_22, %get3A_40, %dot_general3A {dimension_numbers = #tpu.dot_dimension_numbers<[1], [0], [0], [1], [0, 0, 1, 1], [], []>, transpose_lhs_hint = false} : vector<640x128xf32>, vector<128x128xf32>, vector<640x128xf32> -> vector<640x128xf32>
    %get3A_42 = arith.constant 128 : index
    %get3A_43 = arith.constant 0 : index
    %get3A_44 = vector.load %arg7[%get3A_42, %get3A_43] : memref<256x128xf32, #tpu.memory_space<vmem>>, vector<128x128xf32>
    %dot_general3A_45 = arith.constant dense<0.000000e+00> : vector<640x128xf32>
    %dot_general3A_46 = tpu.matmul %mul3A_37, %get3A_44, %dot_general3A_45 {dimension_numbers = #tpu.dot_dimension_numbers<[1], [0], [0], [1], [0, 0, 1, 1], [], []>, transpose_lhs_hint = false} : vector<640x128xf32>, vector<128x128xf32>, vector<640x128xf32> -> vector<640x128xf32>
    %add3A_47 = arith.addf %dot_general3A_41, %dot_general3A_46 : vector<640x128xf32>
    %swap3A = arith.constant 0 : index
    %swap3A_48 = arith.constant 0 : index
    %swap3A_49 = vector.load %arg8[%swap3A, %swap3A_48] : memref<640x128xf32, #tpu.memory_space<vmem>>, vector<640x128xf32>
    tpu.vector_store %arg8[%swap3A, %swap3A_48], %add3A_47 {strides = array<i32>} : memref<640x128xf32, #tpu.memory_space<vmem>>, vector<640x128xf32>,
    return
  }
  func.func @transform_0(%arg0: i32, %arg1: i32) -> (i32, i32) {
    %c0_i32 = arith.constant 0 : i32
    %c0_i32_0 = arith.constant 0 : i32
    return %arg1, %c0_i32 : i32, i32
  }
  func.func @transform_1(%arg0: i32, %arg1: i32) -> (i32, i32) {
    %add3A = arith.constant 16 : i32
    %add3A_0 = arith.addi %add3A, %arg1 : i32
    %c0_i32 = arith.constant 0 : i32
    %c0_i32_1 = arith.constant 0 : i32
    return %add3A_0, %c0_i32 : i32, i32
  }
  func.func @transform_2(%arg0: i32, %arg1: i32) -> (i32, i32) {
    %c0_i32 = arith.constant 0 : i32
    %c0_i32_0 = arith.constant 0 : i32
    return %arg1, %c0_i32 : i32, i32
  }
  func.func @transform_3(%arg0: i32, %arg1: i32) -> (i32, i32) {
    %c0_i32 = arith.constant 0 : i32
    %c0_i32_0 = arith.constant 0 : i32
    return %arg1, %c0_i32 : i32, i32
  }
  func.func @transform_4(%arg0: i32, %arg1: i32) -> (i32, i32) {
    %c0_i32 = arith.constant 0 : i32
    %c0_i32_0 = arith.constant 0 : i32
    %c0_i32_1 = arith.constant 0 : i32
    return %c0_i32, %c0_i32_0 : i32, i32
  }
  func.func @transform_5(%arg0: i32, %arg1: i32) -> (i32, i32) {
    %c0_i32 = arith.constant 0 : i32
    %c0_i32_0 = arith.constant 0 : i32
    return %c0_i32, %arg0 : i32, i32
  }
  func.func @transform_6(%arg0: i32, %arg1: i32) -> (i32, i32) {
    %mul3A = arith.constant 16 : i32
    %mul3A_0 = arith.muli %arg0, %mul3A : i32
    %add3A = arith.addi %mul3A_0, %arg1 : i32
    %c0_i32 = arith.constant 0 : i32
    %c0_i32_1 = arith.constant 0 : i32
    return %add3A, %c0_i32 : i32, i32
  }
}

module attributes {stable_mosaic.version = 14 : i64} {
  func.func @_k3_body(%arg0: i32, %arg1: memref<640x128xf32, #tpu.memory_space<vmem>>, %arg2: memref<640x128xf32, #tpu.memory_space<vmem>>, %arg3: memref<640x1xf32, #tpu.memory_space<vmem>>, %arg4: memref<1x256xf32, #tpu.memory_space<vmem>>, %arg5: memref<256x64xf32, #tpu.memory_space<vmem>>, %arg6: memref<1x64xf32, #tpu.memory_space<vmem>>, %arg7: memref<1x64xf32, #tpu.memory_space<vmem>>, %arg8: memref<1x256xf32, #tpu.memory_space<vmem>>) attributes {dimension_semantics = [#tpu.dimension_semantics<arbitrary>], iteration_bounds = array<i64: 16>, scalar_prefetch = 0 : i64, scratch_operands = 1 : i64, tpu.core_type = #tpu.core_type<tc>, window_params = [{transform_indices = @transform_0, window_bounds = array<i64: 640, 128>}, {transform_indices = @transform_1, window_bounds = array<i64: 640, 128>}, {transform_indices = @transform_2, window_bounds = array<i64: 640, 1>}, {pipeline_mode = #tpu.pipeline_mode<synchronous>, transform_indices = @transform_3, window_bounds = array<i64: 1, 256>}, {pipeline_mode = #tpu.pipeline_mode<synchronous>, transform_indices = @transform_4, window_bounds = array<i64: 256, 64>}, {pipeline_mode = #tpu.pipeline_mode<synchronous>, transform_indices = @transform_5, window_bounds = array<i64: 1, 64>}, {pipeline_mode = #tpu.pipeline_mode<synchronous>, transform_indices = @transform_6, window_bounds = array<i64: 1, 64>}]} {
    %eq3A = arith.constant 0 : i32
    %eq3A_0 = arith.cmpi eq, %arg0, %eq3A : i32
    %convert_element_type3A = arith.extui %eq3A_0 : i1 to i32
    %cond3A = arith.constant 0 : i32
    %cond3A_1 = arith.cmpi ne, %convert_element_type3A, %cond3A : i32
    scf.if %cond3A_1 {
      %broadcast_in_dim3A_63 = arith.constant 0.000000e+00 : f32
      %broadcast_in_dim3A_64 = vector.broadcast %broadcast_in_dim3A_63 : f32 to vector<1x256xf32>
      %swap3A_65 = arith.constant 0 : index
      %swap3A_66 = arith.constant 0 : index
      %swap3A_67 = vector.load %arg8[%swap3A_65, %swap3A_66] : memref<1x256xf32, #tpu.memory_space<vmem>>, vector<1x256xf32>
      tpu.vector_store %arg8[%swap3A_65, %swap3A_66], %broadcast_in_dim3A_64 {strides = array<i32>} : memref<1x256xf32, #tpu.memory_space<vmem>>, vector<1x256xf32>,
    } else {
    }
    %get3A = arith.constant 0 : index
    %get3A_2 = arith.constant 0 : index
    %get3A_3 = vector.load %arg3[%get3A, %get3A_2] : memref<640x1xf32, #tpu.memory_space<vmem>>, vector<640x1xf32>
    %jit3A = arith.constant 1.000000e+00 : f32
    %max3A = vector.broadcast %jit3A : f32 to vector<640x1xf32>
    %max3A_4 = arith.maximumf %max3A, %get3A_3 : vector<640x1xf32>
    %rsqrt3A = math.rsqrt %max3A_4 : vector<640x1xf32>
    %mul3A = arith.constant 640 : i32
    %mul3A_5 = arith.muli %arg0, %mul3A : i32
    %iota3A = tpu.iota {dimensions = array<i32: 0>} : vector<640x1xi32>
    %add3A = vector.broadcast %mul3A_5 : i32 to vector<640x1xi32>
    %add3A_6 = arith.addi %add3A, %iota3A : vector<640x1xi32>
    %lt3A = arith.constant 10000 : i32
    %lt3A_7 = vector.broadcast %lt3A : i32 to vector<640x1xi32>
    %lt3A_8 = arith.cmpi slt, %add3A_6, %lt3A_7 : vector<640x1xi32>
    %convert_element_type3A_9 = arith.extui %lt3A_8 : vector<640x1xi1> to vector<640x1xi32>
    %convert_element_type3A_10 = arith.sitofp %convert_element_type3A_9 : vector<640x1xi32> to vector<640x1xf32>
    %get3A_11 = arith.constant 0 : index
    %get3A_12 = arith.constant 0 : index
    %get3A_13 = vector.load %arg1[%get3A_11, %get3A_12] : memref<640x128xf32, #tpu.memory_space<vmem>>, vector<640x128xf32>
    %mul3A_14 = vector.broadcast %rsqrt3A : vector<640x1xf32> to vector<640x128xf32>
    %mul3A_15 = arith.mulf %get3A_13, %mul3A_14 : vector<640x128xf32>
    %get3A_16 = arith.constant 0 : index
    %get3A_17 = arith.constant 0 : index
    %get3A_18 = vector.load %arg4[%get3A_16, %get3A_17] : memref<1x256xf32, #tpu.memory_space<vmem>>, vector<1x128xf32>
    %add3A_19 = vector.broadcast %get3A_18 : vector<1x128xf32> to vector<640x128xf32>
    %add3A_20 = arith.addf %mul3A_15, %add3A_19 : vector<640x128xf32>
    %max3A_21 = arith.constant 0.000000e+00 : f32
    %max3A_22 = vector.broadcast %max3A_21 : f32 to vector<640x128xf32>
    %max3A_23 = arith.maximumf %add3A_20, %max3A_22 : vector<640x128xf32>
    %mul3A_24 = vector.broadcast %convert_element_type3A_10 : vector<640x1xf32> to vector<640x128xf32>
    %mul3A_25 = arith.mulf %max3A_23, %mul3A_24 : vector<640x128xf32>
    %get3A_26 = arith.constant 0 : index
    %get3A_27 = arith.constant 0 : index
    %get3A_28 = vector.load %arg2[%get3A_26, %get3A_27] : memref<640x128xf32, #tpu.memory_space<vmem>>, vector<640x128xf32>
    %mul3A_29 = vector.broadcast %rsqrt3A : vector<640x1xf32> to vector<640x128xf32>
    %mul3A_30 = arith.mulf %get3A_28, %mul3A_29 : vector<640x128xf32>
    %get3A_31 = arith.constant 0 : index
    %get3A_32 = arith.constant 128 : index
    %get3A_33 = vector.load %arg4[%get3A_31, %get3A_32] : memref<1x256xf32, #tpu.memory_space<vmem>>, vector<1x128xf32>
    %add3A_34 = vector.broadcast %get3A_33 : vector<1x128xf32> to vector<640x128xf32>
    %add3A_35 = arith.addf %mul3A_30, %add3A_34 : vector<640x128xf32>
    %max3A_36 = arith.constant 0.000000e+00 : f32
    %max3A_37 = vector.broadcast %max3A_36 : f32 to vector<640x128xf32>
    %max3A_38 = arith.maximumf %add3A_35, %max3A_37 : vector<640x128xf32>
    %mul3A_39 = vector.broadcast %convert_element_type3A_10 : vector<640x1xf32> to vector<640x128xf32>
    %mul3A_40 = arith.mulf %max3A_38, %mul3A_39 : vector<640x128xf32>
    %get3A_41 = arith.constant 0 : index
    %get3A_42 = arith.constant 0 : index
    %get3A_43 = vector.load %arg8[%get3A_41, %get3A_42] : memref<1x256xf32, #tpu.memory_space<vmem>>, vector<1x128xf32>
    %reduce_sum3A = arith.constant dense<0.000000e+00> : vector<128xf32>
    %reduce_sum3A_44 = vector.multi_reduction <add>, %mul3A_25, %reduce_sum3A [0] : vector<640x128xf32> to vector<128xf32>
    %broadcast_in_dim3A = vector.shape_cast %reduce_sum3A_44 : vector<128xf32> to vector<1x128xf32>
    %add3A_45 = arith.addf %get3A_43, %broadcast_in_dim3A : vector<1x128xf32>
    %swap3A = arith.constant 0 : index
    %swap3A_46 = arith.constant 0 : index
    %swap3A_47 = vector.load %arg8[%swap3A, %swap3A_46] : memref<1x256xf32, #tpu.memory_space<vmem>>, vector<1x128xf32>
    tpu.vector_store %arg8[%swap3A, %swap3A_46], %add3A_45 {strides = array<i32>} : memref<1x256xf32, #tpu.memory_space<vmem>>, vector<1x128xf32>,
    %get3A_48 = arith.constant 0 : index
    %get3A_49 = arith.constant 128 : index
    %get3A_50 = vector.load %arg8[%get3A_48, %get3A_49] : memref<1x256xf32, #tpu.memory_space<vmem>>, vector<1x128xf32>
    %reduce_sum3A_51 = arith.constant dense<0.000000e+00> : vector<128xf32>
    %reduce_sum3A_52 = vector.multi_reduction <add>, %mul3A_40, %reduce_sum3A_51 [0] : vector<640x128xf32> to vector<128xf32>
    %broadcast_in_dim3A_53 = vector.shape_cast %reduce_sum3A_52 : vector<128xf32> to vector<1x128xf32>
    %add3A_54 = arith.addf %get3A_50, %broadcast_in_dim3A_53 : vector<1x128xf32>
    %swap3A_55 = arith.constant 0 : index
    %swap3A_56 = arith.constant 128 : index
    %swap3A_57 = vector.load %arg8[%swap3A_55, %swap3A_56] : memref<1x256xf32, #tpu.memory_space<vmem>>, vector<1x128xf32>
    tpu.vector_store %arg8[%swap3A_55, %swap3A_56], %add3A_54 {strides = array<i32>} : memref<1x256xf32, #tpu.memory_space<vmem>>, vector<1x128xf32>,
    %eq3A_58 = arith.constant 15 : i32
    %eq3A_59 = arith.cmpi eq, %arg0, %eq3A_58 : i32
    %convert_element_type3A_60 = arith.extui %eq3A_59 : i1 to i32
    %cond3A_61 = arith.constant 0 : i32
    %cond3A_62 = arith.cmpi ne, %convert_element_type3A_60, %cond3A_61 : i32
    scf.if %cond3A_62 {
      %get3A_63 = arith.constant 0 : index
      %get3A_64 = arith.constant 0 : index
      %get3A_65 = vector.load %arg8[%get3A_63, %get3A_64] : memref<1x256xf32, #tpu.memory_space<vmem>>, vector<1x256xf32>
      %mul3A_66 = arith.constant 9.99999974E-5 : f32
      %mul3A_67 = vector.broadcast %mul3A_66 : f32 to vector<1x256xf32>
      %mul3A_68 = arith.mulf %get3A_65, %mul3A_67 : vector<1x256xf32>
      %get3A_69 = arith.constant 0 : index
      %get3A_70 = arith.constant 0 : index
      %get3A_71 = vector.load %arg5[%get3A_69, %get3A_70] : memref<256x64xf32, #tpu.memory_space<vmem>>, vector<256x64xf32>
      %dot_general3A = arith.constant dense<0.000000e+00> : vector<1x64xf32>
      %dot_general3A_72 = tpu.matmul %mul3A_68, %get3A_71, %dot_general3A {dimension_numbers = #tpu.dot_dimension_numbers<[1], [0], [0], [1], [0, 0, 1, 1], [], []>, transpose_lhs_hint = false} : vector<1x256xf32>, vector<256x64xf32>, vector<1x64xf32> -> vector<1x64xf32>
      %get3A_73 = arith.constant 0 : index
      %get3A_74 = arith.constant 0 : index
      %get3A_75 = vector.load %arg6[%get3A_73, %get3A_74] : memref<1x64xf32, #tpu.memory_space<vmem>>, vector<1x64xf32>
      %add3A_76 = arith.addf %dot_general3A_72, %get3A_75 : vector<1x64xf32>
      %swap3A_77 = arith.constant 0 : index
      %swap3A_78 = arith.constant 0 : index
      %swap3A_79 = vector.load %arg7[%swap3A_77, %swap3A_78] : memref<1x64xf32, #tpu.memory_space<vmem>>, vector<1x64xf32>
      tpu.vector_store %arg7[%swap3A_77, %swap3A_78], %add3A_76 {strides = array<i32>} : memref<1x64xf32, #tpu.memory_space<vmem>>, vector<1x64xf32>,
    } else {
    }
    return
  }
  func.func @transform_0(%arg0: i32) -> (i32, i32) {
    %c0_i32 = arith.constant 0 : i32
    %c0_i32_0 = arith.constant 0 : i32
    return %arg0, %c0_i32 : i32, i32
  }
  func.func @transform_1(%arg0: i32) -> (i32, i32) {
    %add3A = arith.constant 16 : i32
    %add3A_0 = arith.addi %add3A, %arg0 : i32
    %c0_i32 = arith.constant 0 : i32
    %c0_i32_1 = arith.constant 0 : i32
    return %add3A_0, %c0_i32 : i32, i32
  }
  func.func @transform_2(%arg0: i32) -> (i32, i32) {
    %c0_i32 = arith.constant 0 : i32
    %c0_i32_0 = arith.constant 0 : i32
    return %arg0, %c0_i32 : i32, i32
  }
  func.func @transform_3(%arg0: i32) -> (i32, i32) {
    %c0_i32 = arith.constant 0 : i32
    %c0_i32_0 = arith.constant 0 : i32
    %c0_i32_1 = arith.constant 0 : i32
    return %c0_i32, %c0_i32_0 : i32, i32
  }
  func.func @transform_4(%arg0: i32) -> (i32, i32) {
    %c0_i32 = arith.constant 0 : i32
    %c0_i32_0 = arith.constant 0 : i32
    %c0_i32_1 = arith.constant 0 : i32
    return %c0_i32, %c0_i32_0 : i32, i32
  }
  func.func @transform_5(%arg0: i32) -> (i32, i32) {
    %c0_i32 = arith.constant 0 : i32
    %c0_i32_0 = arith.constant 0 : i32
    %c0_i32_1 = arith.constant 0 : i32
    return %c0_i32, %c0_i32_0 : i32, i32
  }
  func.func @transform_6(%arg0: i32) -> (i32, i32) {
    %c0_i32 = arith.constant 0 : i32
    %c0_i32_0 = arith.constant 0 : i32
    %c0_i32_1 = arith.constant 0 : i32
    return %c0_i32, %c0_i32_0 : i32, i32
  }
}

</mosaic_0001>

<sc_bundles>
// kernel: kernel.11.cloned.1.call-start
scs
__scs_entry_jumppad:
0x0: {  	(pc) =	sbr.rel $0x88, $3  }
0x1: {  	(tag) =	ssettag $0x0;
	lr =	simm.s32 $0x1  }
0x2: {  	[smem:$0x3F99] =	sst lr;
	_ =	strace $0xD0000000  }
0x3: {  	_ = 	snop  }
0x4: {  	_ = 	snop  }
0x5: {  	_ = 	snop  }
0x6: {  	_ = 	snop  }
0x7: {  	_ = 	snop  }
__scs_overlays_trampoline_lowered:
0x8: {  	[smem:$0x3FA8] =	sst s0  }
0x9: {  	[smem:$0x3FA9] =	sst s1  }
0xa: {  	[smem:$0x3FAA] =	sst s2  }
0xb: {  	[smem:$0x3FAB] =	sst s3  }
0xc: {  	[smem:$0x3FAC] =	sst s4  }
0xd: {  	[smem:$0x3FAD] =	sst s5  }
0xe: {  	[smem:$0x3FAE] =	sst s6  }
0xf: {  	[smem:$0x3FAF] =	sst s7  }
0x10: {  	[smem:$0x3FB0] =	sst s8  }
0x11: {  	[smem:$0x3FB1] =	sst s9;
	s0 =	simm.s32 @!p0 $0x0  }
0x12: {  	s1 =	sld [smem:$0x3F97];
	s0 =	simm.s32 @p0 $0x1  }
0x13: {  	[smem:$0x3FB2] =	sst s0;
	s0 =	simm.s32 @!p1 $0x0  }
0x14: {  	s2 =	sld [smem:$0x3F96];
	s0 =	simm.s32 @p1 $0x1  }
0x15: {  	[smem:$0x3FB3] =	sst s0;
	s0 =	simm.s32 @!p2 $0x0  }
0x16: {  	s3 =	sld [smem:$0x3FDB];
	s0 =	simm.s32 @p2 $0x1  }
0x17: {  	s4 =	simm.s32 $0x1BF5;
	[smem:$0x3FB5] =	sst s0  }
0x18: {  	s0 =	sld [smem:$0x3F98];
	_ =	swait.ge [sflag:s4], $0x0  }
0x19: {  	s7 =	sld [smem:$0x3F99]  }
0x1a: {  	s8 =	sadd.s32 $0xFFFFE003, lr  }
0x1b: {  	s9 =	sadd.s32 $0xFFFFFEF7, lr;
	s5 =	simm.s32 $0xFFFFFFFF;
	p2 =	slt.u32 s8, $0xFFFFF086  }
0x1c: {  	p1 =	slt.u32 s9, $0xF7A;
	s5 =	simm.s32 @!p2 $0x0  }
0x1d: {  	s5 =	simm.s32 @p1 $0x1;
	p0 =	seq.s32 s7, s2  }
0x1e: {  	s7 =	smul.u32 @!p0 $0xF7A, s2;
	p2 =	seq.s32 @!p0 s5, $0x0  }
0x1f: {  	s9 =	smul.u32 $0xF7A, s1;
	s8 =	simm.s32 @!p0 $0x1BF5;
	p2 =	por !p2, p0  }
0x20: {  	[sflag:s8] =	ssyncset.s32 @!p0 $0xFFFFF086;
	s6 =	sadd.s32 @!p0 s3, s7;
	s7 =	simm.s32 @!p0 $0x108  }
0x21: {  	s3 =	sadd.s32 s3, s9;
	s6 =	sadd.s32 @!p0 $0x88, s6;
	s7 =	simm.s32 @p2 $0x1082  }
0x22: {  	[simem:s7], [sflag:s8] =	dma.local @!p0 [hbm:s6], $0xF7A  }
0x23: {  	s9 =	sor.u32 $0xD0000000, s2;
	s6 =	simm.s32 $0x108;
	_ =	swait.ge @!p0 [sflag:s8], $0x0  }
0x24: {  	s3 =	sadd.s32 $0x88, s3;
	s6 =	simm.s32 @!p1 $0x1082;
	[sflag:s4] =	ssyncset.s32 $0xFFFFF086  }
0x25: {  	[simem:s6], [sflag:s4] =	dma.local [hbm:s3], $0xF7A  }
0x26: {  	[smem:$0x3F99] =	sst s1;
	(tag) =	ssettag s2;
	_ =	strace s9  }
0x27: {  	s1 =	sld [smem:$0x3FA9]  }
0x28: {  	s2 =	sld [smem:$0x3FAA]  }
0x29: {  	s4 =	sld [smem:$0x3FAC]  }
0x2a: {  	p0 =	seq.s32 s5, $0x0;
	s5 =	sld [smem:$0x3FAD]  }
0x2b: {  	s6 =	sld [smem:$0x3FAE]  }
0x2c: {  	s7 =	sld [smem:$0x3FAF]  }
0x2d: {  	s3 =	simm.s32 $0x108;
	s8 =	sld [smem:$0x3FB0]  }
0x2e: {  	s3 =	simm.s32 @!p0 $0x1082;
	s9 =	sld [smem:$0x3FB1]  }
0x2f: {  	lr =	sadd.s32 s0, s3;
	s0 =	sld [smem:$0x3FA8]  }
0x30: {  	s3 =	sld [smem:$0x3FAB]  }
0x31: {  	[smem:$0x3FB4] =	sst s10  }
0x32: {  	s10 =	sld [smem:$0x3FB2];
	_ =	sdelay $0x3  }
0x33: {  	p0 =	seq.s32 s10, $0x1;
	s10 =	sld [smem:$0x3FB4];
	_ =	sdelay $0x3  }
0x34: {  	[smem:$0x3FB4] =	sst s10  }
0x35: {  	s10 =	sld [smem:$0x3FB3];
	_ =	sdelay $0x3  }
0x36: {  	p1 =	seq.s32 s10, $0x1;
	s10 =	sld [smem:$0x3FB4];
	_ =	sdelay $0x3  }
0x37: {  	[smem:$0x3FB4] =	sst s10  }
0x38: {  	s10 =	sld [smem:$0x3FB5]  }
0x39: {  	_ = 	snop;
	(pc) =	sbr.ind lr, $3  }
0x3a: {  	_ = 	snop  }
0x3b: {  	_ = 	snop  }
0x3c: {  	p2 =	seq.s32 s10, $0x1;
	s10 =	sld [smem:$0x3FB4]  }
0x3d: {  	_ =	shalt  }
0x3e: {  	_ =	shalt  }
0x3f: {  	_ =	shalt  }
0x40: {  	_ =	shalt  }
0x41: {  	_ =	shalt  }
0x42: {  	_ =	shalt  }
0x43: {  	_ =	shalt  }
0x44: {  	_ =	shalt  }
0x45: {  	_ =	shalt  }
0x46: {  	_ =	shalt  }
0x47: {  	_ =	shalt  }
0x48: {  	_ =	shalt  }
0x49: {  	_ =	shalt  }
0x4a: {  	_ =	shalt  }
0x4b: {  	_ =	shalt  }
0x4c: {  	_ =	shalt  }
0x4d: {  	_ =	shalt  }
0x4e: {  	_ =	shalt  }
0x4f: {  	_ =	shalt  }
0x50: {  	_ =	shalt  }
0x51: {  	_ =	shalt  }
0x52: {  	_ =	shalt  }
0x53: {  	_ =	shalt  }
0x54: {  	_ =	shalt  }
0x55: {  	_ =	shalt  }
0x56: {  	_ =	shalt  }
0x57: {  	_ =	shalt  }
0x58: {  	_ =	shalt  }
0x59: {  	_ =	shalt  }
0x5a: {  	_ =	shalt  }
0x5b: {  	_ =	shalt  }
0x5c: {  	_ =	shalt  }
0x5d: {  	_ =	shalt  }
0x5e: {  	_ =	shalt  }
0x5f: {  	_ =	shalt  }
0x60: {  	_ =	shalt  }
0x61: {  	_ =	shalt  }
0x62: {  	_ =	shalt  }
0x63: {  	_ =	shalt  }
0x64: {  	_ =	shalt  }
0x65: {  	_ =	shalt  }
0x66: {  	_ =	shalt  }
0x67: {  	_ =	shalt  }
0x68: {  	_ =	shalt  }
0x69: {  	_ =	shalt  }
0x6a: {  	_ =	shalt  }
0x6b: {  	_ =	shalt  }
0x6c: {  	_ =	shalt  }
0x6d: {  	_ =	shalt  }
0x6e: {  	_ =	shalt  }
0x6f: {  	_ =	shalt  }
0x70: {  	_ =	shalt  }
0x71: {  	_ =	shalt  }
0x72: {  	_ =	shalt  }
0x73: {  	_ =	shalt  }
0x74: {  	_ =	shalt  }
0x75: {  	_ =	shalt  }
0x76: {  	_ =	shalt  }
0x77: {  	_ =	shalt  }
0x78: {  	_ =	shalt  }
0x79: {  	_ =	shalt  }
0x7a: {  	_ =	shalt  }
0x7b: {  	_ =	shalt  }
0x7c: {  	_ =	shalt  }
0x7d: {  	_ =	shalt  }
0x7e: {  	_ =	shalt  }
0x7f: {  	_ =	shalt  }
0x80: {  	_ =	shalt  }
0x81: {  	_ =	shalt  }
0x82: {  	_ =	shalt  }
0x83: {  	_ =	shalt  }
0x84: {  	_ =	shalt  }
0x85: {  	_ =	shalt  }
0x86: {  	_ =	shalt  }
0x87: {  	_ =	shalt  }
.Lfunc_end0:
.L_simem_size_0:
called_computation.1_lowered:
.L_overlay_start_0:
0x88: {  	s2 =	sld [smem:$0x3FD9]  }
0x89: {  	s3 =	sld [smem:$0x3FFE];
	_ =	sdelay $0x1  }
0x8a: {  	s1 =	srdreg.scid  }
0x8b: {  	s0 =	sand.u32 $0x1, s1  }
0x8c: {  	s16 =	sshll.u32 s0, $0xA;
	s2 =	sadd.s32 s3, s2  }
0x8d: {  	s2 =	sadd.s32 s2, s16  }
0x8e: {  	[smem:$0x3FC0] =	sst s2  }
0x8f: {  	_ = 	snop  }
0x90: {  	(tm) =	ssettm $0x1  }
0x91: {  	s17 =	sld [smem:$0x3FFB];
	_ =	sdelay $0x3  }
0x92: {  	_ =	strace s17  }
0x93: {  	s2 =	sld [smem:$0x3FFC];
	_ =	sdelay $0x3  }
0x94: {  	_ =	strace s2  }
0x95: {  	s2 =	sld [smem:$0x3FFD];
	_ =	sdelay $0x3  }
0x96: {  	_ =	strace s2  }
0x97: {  	_ =	strace $0x8FFFFFFF  }
0x98: {  	s18 =	sld [smem:$0x3FDB];
	_ =	sdelay $0x1  }
0x99: {  	s19 =	simm.s32 $_scs_section_size  }
0x9a: {  	s4 =	simm.s32 $_size__tile_overlayer_lowered;
	s5 =	simm.s32 $_tile_overlayer_lowered  }
0x9b: {  	s22 =	simm.s32 $0x1BFF;
	s21 =	sshll.u32 s5, $0x1;
	s2 =	sadd.s32 s19, s18  }
0x9c: {  	s6 =	simm.s32 $0x0;
	s20 =	sshll.u32 s4, $0x1;
	s4 =	sadd.s32 s21, s2  }
0x9d: {  	[timem:s6], [sflag:s22] =	dma.local [hbm:s4], s20  }
0x9e: {  	_ =	swait.ge [sflag:s22], s20  }
0x9f: {  	s3 =	ssub.s32 $0x0, s20;
	[sflag:s22] =	ssyncset.done $0x0  }
0xa0: {  	[sflag:s22] =	ssyncadd.s32 s3;
	_ =	sdelay $0x1  }
0xa1: {  	s23 =	simm.s32 $0x1B8B  }
0xa2: {  	_ =	swait.ge [sflag:s23], $0x1  }
0xa3: {  	[sflag:s23] =	ssyncset.done $0x0  }
0xa4: {  	s25 =	simm.s32 $0x1B8E;
	s24 =	sld [smem:$0x3FFE];
	[sflag:s23] =	ssyncadd.s32 $0xFFFFFFFF  }
0xa5: {  	s26 =	simm.s32 $execute0_lowered;
	[smem:$0x3FD2] =	sst s25  }
0xa6: {  	s4 =	sshll.u32 s26, $0x1;
	_ =	strace $0x80000049;
	[dreg:$0x1] =	wrdreg $0xFFFFFFFF  }
0xa7: {  	s28 =	simm.s32 $_size_execute0_lowered;
	s2 =	sadd.s32 s2, s4;
	[dreg:$0x0] =	wrdreg $0x0  }
0xa8: {  	s4 =	sshll.u32 s28, $0x1;
	[dreg:$0x2] =	wrdreg s2  }
0xa9: {  	[dreg:$0x3] =	wrdreg s4  }
0xaa: {  	[dreg:$0x4] =	wrdreg $0xC0  }
0xab: {  	_ =	task [dreg:s6], $0x5FFFF  }
0xac: {  	[dreg:$0x1] =	wrdreg $0xFFFFFFFF  }
0xad: {  	[dreg:$0x0] =	wrdreg $0x60  }
0xae: {  	[dreg:$0x2] =	wrdreg s24  }
0xaf: {  	[dreg:$0x3] =	wrdreg $0x90000  }
0xb0: {  	[dreg:$0x4] =	wrdreg $0x9  }
0xb1: {  	_ =	task.clear_ibuf [dreg:s6], $0x5FFFF;
	_ =	strace $0x90000049  }
0xb2: {  	s29 =	simm.s32 $0x9;
	_ =	strace $0x8000004B  }
0xb3: {  	_ =	swait.ge [sflag:s29], $0x1  }
0xb4: {  	[sflag:s29] =	ssyncadd.s32 $0xFFFFFFFF  }
0xb5: {  	_ =	strace $0x9000004B  }
0xb6: {  	_ =	sfence  }
0xb7: {  	s30 =	sld [smem:$0x0];
	_ =	sdelay $0x2  }
0xb8: {  	s31 =	sshll.u32 s1, $0xD;
	s1 =	sshrl.u32 s1, $0x2  }
0xb9: {  	s3 =	sand.u32 $0x4000, s31;
	s1 =	sadd.s32 s1, s30  }
0xba: {  	s0 =	sor.u32 s3, s0;
	s1 =	sshll.u32 s1, $0x11  }
0xbb: {  	s0 =	sor.u32 s1, s0  }
0xbc: {  	s0 =	sadd.s32 $0x8F2B, s0  }
0xbd: {  	[sflag:s0] =	ssyncadd.remote.s32 $0x1  }
0xbe: {  	_ =	sfence.sel $0xFFFF  }
0xbf: {  	[dreg:$0x0] =	wrdreg $0xFFFFFFFF;
	(pc) =	sbr.abs _section_cstart, $3  }
0xc0: {  	[dreg:$0x1] =	wrdreg $0xFFFFFFFF  }
0xc1: {  	_ =	task.clear_ibuf [dreg:s6], $0x2FFFF;
	_ =	strace $0x9FFFFFFF  }
0xc2: {  	(tm) =	ssettm $0x7FFFFFFF  }
0xc3: {  	_ =	shalt  }
tec
execute0_lowered:
.L_overlay_start_1:
0x0: {  	(tag) =	ssettag $0x1  }
0x1: {  	s0 =	rddreg [dreg:$0x0]  }
0x2: {  	s2 =	rddreg [dreg:$0x1];
	s10 =	stileid.u32  }
0x3: {  	s4 =	srdreg.scid;
	s3 =	simm.s32 $0x0;
	s13 =	simm.s32 $0x880  }
0x4: {  	s14 =	simm.s32 $0x100;
	s16 =	simm.s32 $0x180;
	s17 =	simm.s32 $0x900  }
0x5: {  	s18 =	simm.s32 $0x980;
	[smem:$0x7FF] =	sst s3;
	s8 =	sadd.s32 $0xC600, s0  }
0x6: {  	s20 =	simm.s32 $0x200;
	_ =	strace $0x8000004A;
	[dreg:$0x11] =	wrdreg s8  }
0x7: {  	s21 =	simm.s32 $0x280;
	s22 =	simm.s32 $0xA00;
	[dreg:$0x5] =	wrdreg s13  }
0x8: {  	s23 =	simm.s32 $0xA80;
	s28 =	simm.s32 $0x680;
	[dreg:$0x6] =	wrdreg s14  }
0x9: {  	s29 =	simm.s32 $0xE00;
	s30 =	simm.s32 $0xE80;
	[dreg:$0x7] =	wrdreg s16  }
0xa: {  	s31 =	simm.s32 $0x700;
	s1 =	smul.u32 $0xA00, s10;
	[dreg:$0x8] =	wrdreg s17  }
0xb: {  	s5 =	sand.u32 $0x1, s4;
	s6 =	smul.u32 $0x2800, s10;
	[dreg:$0x9] =	wrdreg s18  }
0xc: {  	s4 =	sadd.s32 $0x34600, s0;
	s26 =	smul.u32 $0x50000, s10;
	[dreg:$0xa] =	wrdreg s20  }
0xd: {  	s15 =	sshll.u32 s10, $0x6;
	s10 =	simm.s32 $0x3;
	[dreg:$0xb] =	wrdreg s21  }
0xe: {  	s7 =	smul.u32 $0x28000, s5;
	s24 =	ssub.s32 $0x2, s5;
	[dreg:$0xc] =	wrdreg s22  }
0xf: {  	s5 =	smul.u32 $0xA000, s5;
	[dreg:$0xd] =	wrdreg s23;
	s13 =	simm.s32 $0x1000  }
0x10: {  	s14 =	simm.s32 $0x5000;
	s16 =	simm.s32 $0x2;
	s17 =	simm.s32 $0xB80  }
0x11: {  	s18 =	simm.s32 $0x400;
	s20 =	simm.s32 $0xC00;
	s21 =	simm.s32 $0xC80  }
0x12: {  	s22 =	simm.s32 $0x500;
	s23 =	simm.s32 $0x580;
	s1 =	sadd.s32 s1, s0  }
0x13: {  	s25 =	sshrl.u32 s24, $0x1;
	s12 =	sshrl.u32 s26, $0x2;
	s26 =	simm.s32 $0xB00  }
0x14: {  	s6 =	sadd.s32 s6, s7;
	s9 =	sadd.s32 $0x2600, s1;
	s1 =	sadd.s32 s5, s1  }
0x15: {  	s11 =	ssub.s32 s24, s25;
	s7 =	sor.u32 $0x1C03, s15;
	s24 =	simm.s32 $0x300  }
0x16: {  	s25 =	simm.s32 $0x380;
	s15 =	simm.s32 $0x1;
	[dreg:$0x10] =	wrdreg s26  }
0x17: {  	s26 =	simm.s32 $0x600;
	s5 =	simm.s32 $0xF80;
	[dreg:$0x3] =	wrdreg s9  }
0x18: {  	s0 =	sadd.s32 s6, s0;
	s1 =	sadd.s32 $0x20600, s1;
	[dreg:$0xe] =	wrdreg s24  }
0x19: {  	s6 =	sadd.s32 s12, s2;
	s19 =	smax.u32 s11, $0x1;
	[dreg:$0xf] =	wrdreg s25  }
0x1a: {  	s11 =	simm.s32 $0x800;
	s12 =	simm.s32 $0x80;
	[dreg:$0x12] =	wrdreg s7  }
0x1b: {  	s24 =	simm.s32 $0xD00;
	s25 =	simm.s32 $0xD80;
	[dreg:$0x4] =	wrdreg s1  }
0x1c: {  	s9 =	simm.s32 $0x0;
	s0 =	sadd.s32 $0x84600, s0;
	[dreg:$0x14] =	wrdreg s19  }
0x1d: {  	s8 =	sshrl.u32 s6, $0x3;
	s19 =	simm.s32 $0x480;
	[dreg:$0x13] =	wrdreg s0  }
0x1e: {  	s1 =	simm.s32 $0xF00;
	s0 =	simm.s32 $0x780;
	[dreg:$0x15] =	wrdreg s8  }
.LBB2_1:
0x1f: {  	[dreg:$0x16] =	wrdreg s9  }
0x20: {  	s6 =	rddreg [dreg:$0x11]  }
0x21: {  	[spmem:s8], [sflag:s7] =	dma.local [hbm:s6], $0x2800  }
0x22: {  	_ =	swait.ge [sflag:s10], $0x2800  }
0x23: {  	[sflag:s10] =	ssyncset.done $0x0  }
0x24: {  	[sflag:s10] =	ssyncadd.s32 $0xFFFFD800  }
0x25: {  	[bflag:$0x0] =	sbarrier.arrive $0xFFFF  }
0x26: {  	s8 =	rddreg [dreg:$0x4]  }
0x27: {  	s6 =	sadd.s32 $0x0, s8  }
0x28: {  	[tilespmem:s3], [sflag:$0x3] =	stream.linear.gather [hbm4b:s6+s3], $0x800, $0x38;
	[tilespmem:$0x1D000] =	vst v63  }
0x29: {  	_ =	swait.ge [sflag:s10], $0x800  }
0x2a: {  	s9 =	rddreg [dreg:$0x3];
	[sflag:s10] =	ssyncset.done $0x0  }
0x2b: {  	[sflag:s10] =	ssyncadd.s32 $0xFFFFF800;
	s6 =	sadd.s32 $0x0, s9  }
0x2c: {  	[tilespmem:s11], [sflag:$0x3] =	stream.linear.gather [hbm4b:s6+s3], $0x800, $0x38;
	[tilespmem:$0x1D000] =	vst v63  }
0x2d: {  	_ =	swait.ge [sflag:s10], $0x800  }
0x2e: {  	[sflag:s10] =	ssyncset.done $0x0  }
0x2f: {  	[sflag:s10] =	ssyncadd.s32 $0xFFFFF800  }
0x30: {  	[tilespmem:s13], [sflag:$0x1] =	stream.indirect.gather [hbm4b:s4+s12], $0x80, s3, s12, $0xb8;
	[tilespmem:$0x1D000] =	vst v63  }
0x31: {  	_ = 	snop  }
0x32: {  	[tilespmem:s14], [sflag:$0x2] =	stream.indirect.gather [hbm4b:s4+s12], $0x80, s12, s12, $0xb8;
	[tilespmem:$0x1D000] =	vst v63  }
0x33: {  	_ =	swait.ge [sflag:s15], $0x4000  }
0x34: {  	[sflag:s15] =	ssyncset.done $0x0  }
0x35: {  	[sflag:s15] =	ssyncadd.s32 $0xFFFFC000  }
0x36: {  	[spmem:s2] =	stream.indirect.scatter.add.f32 [tilespmem:s13], [sflag:$0x1], $0x80, s11, s12, $0xb8;
	[tilespmem:$0x1D000] =	vst v63  }
0x37: {  	_ =	swait.ge [sflag:s16], $0x4000  }
0x38: {  	[sflag:s16] =	ssyncset.done $0x0  }
0x39: {  	s7 =	rddreg [dreg:$0x5];
	[sflag:s16] =	ssyncadd.s32 $0xFFFFC000  }
0x3a: {  	[spmem:s2] =	stream.indirect.scatter.add.f32 [tilespmem:s14], [sflag:$0x2], $0x80, s7, s12, $0xb8;
	[tilespmem:$0x1D000] =	vst v63  }
0x3b: {  	_ =	swait.ge [sflag:s15], $0x4000  }
0x3c: {  	[sflag:s15] =	ssyncset.done $0x0  }
0x3d: {  	s8 =	rddreg [dreg:$0x6];
	[sflag:s15] =	ssyncadd.s32 $0xFFFFC000  }
0x3e: {  	[tilespmem:s13], [sflag:$0x1] =	stream.indirect.gather [hbm4b:s4+s12], $0x80, s8, s12, $0xb8;
	[tilespmem:$0x1D000] =	vst v63  }
0x3f: {  	_ =	swait.ge [sflag:s16], $0x4000  }
0x40: {  	[sflag:s16] =	ssyncset.done $0x0  }
0x41: {  	s9 =	rddreg [dreg:$0x7];
	[sflag:s16] =	ssyncadd.s32 $0xFFFFC000  }
0x42: {  	[tilespmem:s14], [sflag:$0x2] =	stream.indirect.gather [hbm4b:s4+s12], $0x80, s9, s12, $0xb8;
	[tilespmem:$0x1D000] =	vst v63  }
0x43: {  	_ =	swait.ge [sflag:s15], $0x4000  }
0x44: {  	[sflag:s15] =	ssyncset.done $0x0  }
0x45: {  	s7 =	rddreg [dreg:$0x8];
	[sflag:s15] =	ssyncadd.s32 $0xFFFFC000  }
0x46: {  	[spmem:s2] =	stream.indirect.scatter.add.f32 [tilespmem:s13], [sflag:$0x1], $0x80, s7, s12, $0xb8;
	[tilespmem:$0x1D000] =	vst v63  }
0x47: {  	_ =	swait.ge [sflag:s16], $0x4000  }
0x48: {  	[sflag:s16] =	ssyncset.done $0x0  }
0x49: {  	s8 =	rddreg [dreg:$0x9];
	[sflag:s16] =	ssyncadd.s32 $0xFFFFC000  }
0x4a: {  	[spmem:s2] =	stream.indirect.scatter.add.f32 [tilespmem:s14], [sflag:$0x2], $0x80, s8, s12, $0xb8;
	[tilespmem:$0x1D000] =	vst v63  }
0x4b: {  	_ =	swait.ge [sflag:s15], $0x4000  }
0x4c: {  	[sflag:s15] =	ssyncset.done $0x0  }
0x4d: {  	s9 =	rddreg [dreg:$0xa];
	[sflag:s15] =	ssyncadd.s32 $0xFFFFC000  }
0x4e: {  	[tilespmem:s13], [sflag:$0x1] =	stream.indirect.gather [hbm4b:s4+s12], $0x80, s9, s12, $0xb8;
	[tilespmem:$0x1D000] =	vst v63  }
0x4f: {  	_ =	swait.ge [sflag:s16], $0x4000  }
0x50: {  	[sflag:s16] =	ssyncset.done $0x0  }
0x51: {  	s7 =	rddreg [dreg:$0xb];
	[sflag:s16] =	ssyncadd.s32 $0xFFFFC000  }
0x52: {  	[tilespmem:s14], [sflag:$0x2] =	stream.indirect.gather [hbm4b:s4+s12], $0x80, s7, s12, $0xb8;
	[tilespmem:$0x1D000] =	vst v63  }
0x53: {  	_ =	swait.ge [sflag:s15], $0x4000  }
0x54: {  	[sflag:s15] =	ssyncset.done $0x0  }
0x55: {  	s8 =	rddreg [dreg:$0xc];
	[sflag:s15] =	ssyncadd.s32 $0xFFFFC000  }
0x56: {  	[spmem:s2] =	stream.indirect.scatter.add.f32 [tilespmem:s13], [sflag:$0x1], $0x80, s8, s12, $0xb8;
	[tilespmem:$0x1D000] =	vst v63  }
0x57: {  	_ =	swait.ge [sflag:s16], $0x4000  }
0x58: {  	[sflag:s16] =	ssyncset.done $0x0  }
0x59: {  	s9 =	rddreg [dreg:$0xd];
	[sflag:s16] =	ssyncadd.s32 $0xFFFFC000  }
0x5a: {  	[spmem:s2] =	stream.indirect.scatter.add.f32 [tilespmem:s14], [sflag:$0x2], $0x80, s9, s12, $0xb8;
	[tilespmem:$0x1D000] =	vst v63  }
0x5b: {  	_ =	swait.ge [sflag:s15], $0x4000  }
0x5c: {  	[sflag:s15] =	ssyncset.done $0x0  }
0x5d: {  	s7 =	rddreg [dreg:$0xe];
	[sflag:s15] =	ssyncadd.s32 $0xFFFFC000  }
0x5e: {  	[tilespmem:s13], [sflag:$0x1] =	stream.indirect.gather [hbm4b:s4+s12], $0x80, s7, s12, $0xb8;
	[tilespmem:$0x1D000] =	vst v63  }
0x5f: {  	_ =	swait.ge [sflag:s16], $0x4000  }
0x60: {  	[sflag:s16] =	ssyncset.done $0x0  }
0x61: {  	s8 =	rddreg [dreg:$0xf];
	[sflag:s16] =	ssyncadd.s32 $0xFFFFC000  }
0x62: {  	[tilespmem:s14], [sflag:$0x2] =	stream.indirect.gather [hbm4b:s4+s12], $0x80, s8, s12, $0xb8;
	[tilespmem:$0x1D000] =	vst v63  }
0x63: {  	_ =	swait.ge [sflag:s15], $0x4000  }
0x64: {  	[sflag:s15] =	ssyncset.done $0x0  }
0x65: {  	s9 =	rddreg [dreg:$0x10];
	[sflag:s15] =	ssyncadd.s32 $0xFFFFC000  }
0x66: {  	[spmem:s2] =	stream.indirect.scatter.add.f32 [tilespmem:s13], [sflag:$0x1], $0x80, s9, s12, $0xb8;
	[tilespmem:$0x1D000] =	vst v63  }
0x67: {  	_ =	swait.ge [sflag:s16], $0x4000  }
0x68: {  	[sflag:s16] =	ssyncset.done $0x0  }
0x69: {  	[sflag:s16] =	ssyncadd.s32 $0xFFFFC000  }
0x6a: {  	[spmem:s2] =	stream.indirect.scatter.add.f32 [tilespmem:s14], [sflag:$0x2], $0x80, s17, s12, $0xb8;
	[tilespmem:$0x1D000] =	vst v63  }
0x6b: {  	_ =	swait.ge [sflag:s15], $0x4000  }
0x6c: {  	[sflag:s15] =	ssyncset.done $0x0  }
0x6d: {  	[sflag:s15] =	ssyncadd.s32 $0xFFFFC000  }
0x6e: {  	[tilespmem:s13], [sflag:$0x1] =	stream.indirect.gather [hbm4b:s4+s12], $0x80, s18, s12, $0xb8;
	[tilespmem:$0x1D000] =	vst v63  }
0x6f: {  	_ =	swait.ge [sflag:s16], $0x4000  }
0x70: {  	[sflag:s16] =	ssyncset.done $0x0  }
0x71: {  	[sflag:s16] =	ssyncadd.s32 $0xFFFFC000  }
0x72: {  	[tilespmem:s14], [sflag:$0x2] =	stream.indirect.gather [hbm4b:s4+s12], $0x80, s19, s12, $0xb8;
	[tilespmem:$0x1D000] =	vst v63  }
0x73: {  	_ =	swait.ge [sflag:s15], $0x4000  }
0x74: {  	[sflag:s15] =	ssyncset.done $0x0  }
0x75: {  	[sflag:s15] =	ssyncadd.s32 $0xFFFFC000  }
0x76: {  	[spmem:s2] =	stream.indirect.scatter.add.f32 [tilespmem:s13], [sflag:$0x1], $0x80, s20, s12, $0xb8;
	[tilespmem:$0x1D000] =	vst v63  }
0x77: {  	_ =	swait.ge [sflag:s16], $0x4000  }
0x78: {  	[sflag:s16] =	ssyncset.done $0x0  }
0x79: {  	[sflag:s16] =	ssyncadd.s32 $0xFFFFC000  }
0x7a: {  	[spmem:s2] =	stream.indirect.scatter.add.f32 [tilespmem:s14], [sflag:$0x2], $0x80, s21, s12, $0xb8;
	[tilespmem:$0x1D000] =	vst v63  }
0x7b: {  	_ =	swait.ge [sflag:s15], $0x4000  }
0x7c: {  	[sflag:s15] =	ssyncset.done $0x0  }
0x7d: {  	[sflag:s15] =	ssyncadd.s32 $0xFFFFC000  }
0x7e: {  	[tilespmem:s13], [sflag:$0x1] =	stream.indirect.gather [hbm4b:s4+s12], $0x80, s22, s12, $0xb8;
	[tilespmem:$0x1D000] =	vst v63  }
0x7f: {  	_ =	swait.ge [sflag:s16], $0x4000  }
0x80: {  	[sflag:s16] =	ssyncset.done $0x0  }
0x81: {  	[sflag:s16] =	ssyncadd.s32 $0xFFFFC000  }
0x82: {  	[tilespmem:s14], [sflag:$0x2] =	stream.indirect.gather [hbm4b:s4+s12], $0x80, s23, s12, $0xb8;
	[tilespmem:$0x1D000] =	vst v63  }
0x83: {  	_ =	swait.ge [sflag:s15], $0x4000  }
0x84: {  	[sflag:s15] =	ssyncset.done $0x0  }
0x85: {  	[sflag:s15] =	ssyncadd.s32 $0xFFFFC000  }
0x86: {  	[spmem:s2] =	stream.indirect.scatter.add.f32 [tilespmem:s13], [sflag:$0x1], $0x80, s24, s12, $0xb8;
	[tilespmem:$0x1D000] =	vst v63  }
0x87: {  	_ =	swait.ge [sflag:s16], $0x4000  }
0x88: {  	[sflag:s16] =	ssyncset.done $0x0  }
0x89: {  	[sflag:s16] =	ssyncadd.s32 $0xFFFFC000  }
0x8a: {  	[spmem:s2] =	stream.indirect.scatter.add.f32 [tilespmem:s14], [sflag:$0x2], $0x80, s25, s12, $0xb8;
	[tilespmem:$0x1D000] =	vst v63  }
0x8b: {  	_ =	swait.ge [sflag:s15], $0x4000  }
0x8c: {  	[sflag:s15] =	ssyncset.done $0x0  }
0x8d: {  	[sflag:s15] =	ssyncadd.s32 $0xFFFFC000  }
0x8e: {  	[tilespmem:s13], [sflag:$0x1] =	stream.indirect.gather [hbm4b:s4+s12], $0x80, s26, s12, $0xb8;
	[tilespmem:$0x1D000] =	vst v63  }
0x8f: {  	_ =	swait.ge [sflag:s16], $0x4000  }
0x90: {  	[sflag:s16] =	ssyncset.done $0x0  }
0x91: {  	[sflag:s16] =	ssyncadd.s32 $0xFFFFC000  }
0x92: {  	[tilespmem:s14], [sflag:$0x2] =	stream.indirect.gather [hbm4b:s4+s12], $0x80, s28, s12, $0xb8;
	[tilespmem:$0x1D000] =	vst v63  }
0x93: {  	_ =	swait.ge [sflag:s15], $0x4000  }
0x94: {  	[sflag:s15] =	ssyncset.done $0x0  }
0x95: {  	[sflag:s15] =	ssyncadd.s32 $0xFFFFC000  }
0x96: {  	[spmem:s2] =	stream.indirect.scatter.add.f32 [tilespmem:s13], [sflag:$0x1], $0x80, s29, s12, $0xb8;
	[tilespmem:$0x1D000] =	vst v63  }
0x97: {  	_ =	swait.ge [sflag:s16], $0x4000  }
0x98: {  	[sflag:s16] =	ssyncset.done $0x0  }
0x99: {  	[sflag:s16] =	ssyncadd.s32 $0xFFFFC000  }
0x9a: {  	[spmem:s2] =	stream.indirect.scatter.add.f32 [tilespmem:s14], [sflag:$0x2], $0x80, s30, s12, $0xb8;
	[tilespmem:$0x1D000] =	vst v63  }
0x9b: {  	_ =	swait.ge [sflag:s15], $0x4000  }
0x9c: {  	[sflag:s15] =	ssyncset.done $0x0  }
0x9d: {  	[sflag:s15] =	ssyncadd.s32 $0xFFFFC000  }
0x9e: {  	[tilespmem:s13], [sflag:$0x1] =	stream.indirect.gather [hbm4b:s4+s12], $0x80, s31, s12, $0xb8;
	[tilespmem:$0x1D000] =	vst v63  }
0x9f: {  	_ =	swait.ge [sflag:s16], $0x4000  }
0xa0: {  	[sflag:s16] =	ssyncset.done $0x0  }
0xa1: {  	[sflag:s16] =	ssyncadd.s32 $0xFFFFC000  }
0xa2: {  	[tilespmem:s14], [sflag:$0x2] =	stream.indirect.gather [hbm4b:s4+s12], $0x80, s0, s12, $0xb8;
	[tilespmem:$0x1D000] =	vst v63  }
0xa3: {  	_ =	swait.ge [sflag:s15], $0x4000  }
0xa4: {  	[sflag:s15] =	ssyncset.done $0x0  }
0xa5: {  	[sflag:s15] =	ssyncadd.s32 $0xFFFFC000  }
0xa6: {  	[spmem:s2] =	stream.indirect.scatter.add.f32 [tilespmem:s13], [sflag:$0x1], $0x80, s1, s12, $0xb8;
	[tilespmem:$0x1D000] =	vst v63  }
0xa7: {  	_ =	swait.ge [sflag:s16], $0x4000  }
0xa8: {  	[sflag:s16] =	ssyncset.done $0x0  }
0xa9: {  	[sflag:s16] =	ssyncadd.s32 $0xFFFFC000  }
0xaa: {  	[spmem:s2] =	stream.indirect.scatter.add.f32 [tilespmem:s14], [sflag:$0x2], $0x80, s5, s12, $0xb8;
	[tilespmem:$0x1D000] =	vst v63  }
0xab: {  	_ =	swait.ge [sflag:s15], $0x4000  }
0xac: {  	[sflag:s15] =	ssyncset.done $0x0  }
0xad: {  	[sflag:s15] =	ssyncadd.s32 $0xFFFFC000  }
0xae: {  	s6 =	simm.s32 $0x200;
	_ =	swait.ge [sflag:s16], $0x4000  }
0xaf: {  	s8 =	simm.s32 $0x100;
	s9 =	rddreg [dreg:$0x4];
	[sflag:s16] =	ssyncset.done $0x0  }
.LBB2_2:
0xb0: {  	[sflag:s16] =	ssyncadd.s32 $0xFFFFC000;
	s9 =	sadd.s32 s8, s9  }
0xb1: {  	[tilespmem:s3], [sflag:$0x3] =	stream.linear.gather [hbm4b:s9+s3], $0x800, $0x38;
	[tilespmem:$0x1D000] =	vst v63  }
0xb2: {  	_ =	swait.ge [sflag:s10], $0x800  }
0xb3: {  	s9 =	rddreg [dreg:$0x3];
	[sflag:s10] =	ssyncset.done $0x0  }
0xb4: {  	[sflag:s10] =	ssyncadd.s32 $0xFFFFF800;
	s9 =	sadd.s32 s8, s9  }
0xb5: {  	[tilespmem:s11], [sflag:$0x3] =	stream.linear.gather [hbm4b:s9+s3], $0x800, $0x38;
	[tilespmem:$0x1D000] =	vst v63  }
0xb6: {  	_ =	swait.ge [sflag:s10], $0x800  }
0xb7: {  	[sflag:s10] =	ssyncset.done $0x0  }
0xb8: {  	[sflag:s10] =	ssyncadd.s32 $0xFFFFF800  }
0xb9: {  	[tilespmem:s13], [sflag:$0x1] =	stream.indirect.gather [hbm4b:s4+s12], $0x80, s3, s12, $0xb8;
	[tilespmem:$0x1D000] =	vst v63  }
0xba: {  	_ = 	snop  }
0xbb: {  	[tilespmem:s14], [sflag:$0x2] =	stream.indirect.gather [hbm4b:s4+s12], $0x80, s12, s12, $0xb8;
	[tilespmem:$0x1D000] =	vst v63  }
0xbc: {  	_ =	swait.ge [sflag:s15], $0x4000  }
0xbd: {  	[sflag:s15] =	ssyncset.done $0x0  }
0xbe: {  	[sflag:s15] =	ssyncadd.s32 $0xFFFFC000  }
0xbf: {  	[spmem:s2] =	stream.indirect.scatter.add.f32 [tilespmem:s13], [sflag:$0x1], $0x80, s11, s12, $0xb8;
	[tilespmem:$0x1D000] =	vst v63  }
0xc0: {  	_ =	swait.ge [sflag:s16], $0x4000  }
0xc1: {  	[sflag:s16] =	ssyncset.done $0x0  }
0xc2: {  	s9 =	rddreg [dreg:$0x5];
	[sflag:s16] =	ssyncadd.s32 $0xFFFFC000  }
0xc3: {  	[spmem:s2] =	stream.indirect.scatter.add.f32 [tilespmem:s14], [sflag:$0x2], $0x80, s9, s12, $0xb8;
	[tilespmem:$0x1D000] =	vst v63  }
0xc4: {  	_ =	swait.ge [sflag:s15], $0x4000  }
0xc5: {  	[sflag:s15] =	ssyncset.done $0x0  }
0xc6: {  	s9 =	rddreg [dreg:$0x6];
	[sflag:s15] =	ssyncadd.s32 $0xFFFFC000  }
0xc7: {  	[tilespmem:s13], [sflag:$0x1] =	stream.indirect.gather [hbm4b:s4+s12], $0x80, s9, s12, $0xb8;
	[tilespmem:$0x1D000] =	vst v63  }
0xc8: {  	_ =	swait.ge [sflag:s16], $0x4000  }
0xc9: {  	[sflag:s16] =	ssyncset.done $0x0  }
0xca: {  	s9 =	rddreg [dreg:$0x7];
	[sflag:s16] =	ssyncadd.s32 $0xFFFFC000  }
0xcb: {  	[tilespmem:s14], [sflag:$0x2] =	stream.indirect.gather [hbm4b:s4+s12], $0x80, s9, s12, $0xb8;
	[tilespmem:$0x1D000] =	vst v63  }
0xcc: {  	_ =	swait.ge [sflag:s15], $0x4000  }
0xcd: {  	[sflag:s15] =	ssyncset.done $0x0  }
0xce: {  	s9 =	rddreg [dreg:$0x8];
	[sflag:s15] =	ssyncadd.s32 $0xFFFFC000  }
0xcf: {  	[spmem:s2] =	stream.indirect.scatter.add.f32 [tilespmem:s13], [sflag:$0x1], $0x80, s9, s12, $0xb8;
	[tilespmem:$0x1D000] =	vst v63  }
0xd0: {  	_ =	swait.ge [sflag:s16], $0x4000  }
0xd1: {  	[sflag:s16] =	ssyncset.done $0x0  }
0xd2: {  	s9 =	rddreg [dreg:$0x9];
	[sflag:s16] =	ssyncadd.s32 $0xFFFFC000  }
0xd3: {  	[spmem:s2] =	stream.indirect.scatter.add.f32 [tilespmem:s14], [sflag:$0x2], $0x80, s9, s12, $0xb8;
	[tilespmem:$0x1D000] =	vst v63  }
0xd4: {  	_ =	swait.ge [sflag:s15], $0x4000  }
0xd5: {  	[sflag:s15] =	ssyncset.done $0x0  }
0xd6: {  	s9 =	rddreg [dreg:$0xa];
	[sflag:s15] =	ssyncadd.s32 $0xFFFFC000  }
0xd7: {  	[tilespmem:s13], [sflag:$0x1] =	stream.indirect.gather [hbm4b:s4+s12], $0x80, s9, s12, $0xb8;
	[tilespmem:$0x1D000] =	vst v63  }
0xd8: {  	_ =	swait.ge [sflag:s16], $0x4000  }
0xd9: {  	[sflag:s16] =	ssyncset.done $0x0  }
0xda: {  	s9 =	rddreg [dreg:$0xb];
	[sflag:s16] =	ssyncadd.s32 $0xFFFFC000  }
0xdb: {  	[tilespmem:s14], [sflag:$0x2] =	stream.indirect.gather [hbm4b:s4+s12], $0x80, s9, s12, $0xb8;
	[tilespmem:$0x1D000] =	vst v63  }
0xdc: {  	_ =	swait.ge [sflag:s15], $0x4000  }
0xdd: {  	[sflag:s15] =	ssyncset.done $0x0  }
0xde: {  	s9 =	rddreg [dreg:$0xc];
	[sflag:s15] =	ssyncadd.s32 $0xFFFFC000  }
0xdf: {  	[spmem:s2] =	stream.indirect.scatter.add.f32 [tilespmem:s13], [sflag:$0x1], $0x80, s9, s12, $0xb8;
	[tilespmem:$0x1D000] =	vst v63  }
0xe0: {  	_ =	swait.ge [sflag:s16], $0x4000  }
0xe1: {  	[sflag:s16] =	ssyncset.done $0x0  }
0xe2: {  	s9 =	rddreg [dreg:$0xd];
	[sflag:s16] =	ssyncadd.s32 $0xFFFFC000  }
0xe3: {  	[spmem:s2] =	stream.indirect.scatter.add.f32 [tilespmem:s14], [sflag:$0x2], $0x80, s9, s12, $0xb8;
	[tilespmem:$0x1D000] =	vst v63  }
0xe4: {  	_ =	swait.ge [sflag:s15], $0x4000  }
0xe5: {  	[sflag:s15] =	ssyncset.done $0x0  }
0xe6: {  	s9 =	rddreg [dreg:$0xe];
	[sflag:s15] =	ssyncadd.s32 $0xFFFFC000  }
0xe7: {  	[tilespmem:s13], [sflag:$0x1] =	stream.indirect.gather [hbm4b:s4+s12], $0x80, s9, s12, $0xb8;
	[tilespmem:$0x1D000] =	vst v63  }
0xe8: {  	_ =	swait.ge [sflag:s16], $0x4000  }
0xe9: {  	[sflag:s16] =	ssyncset.done $0x0  }
0xea: {  	s9 =	rddreg [dreg:$0xf];
	[sflag:s16] =	ssyncadd.s32 $0xFFFFC000  }
0xeb: {  	[tilespmem:s14], [sflag:$0x2] =	stream.indirect.gather [hbm4b:s4+s12], $0x80, s9, s12, $0xb8;
	[tilespmem:$0x1D000] =	vst v63  }
0xec: {  	_ =	swait.ge [sflag:s15], $0x4000  }
0xed: {  	[sflag:s15] =	ssyncset.done $0x0  }
0xee: {  	s9 =	rddreg [dreg:$0x10];
	[sflag:s15] =	ssyncadd.s32 $0xFFFFC000  }
0xef: {  	[spmem:s2] =	stream.indirect.scatter.add.f32 [tilespmem:s13], [sflag:$0x1], $0x80, s9, s12, $0xb8;
	[tilespmem:$0x1D000] =	vst v63  }
0xf0: {  	_ =	swait.ge [sflag:s16], $0x4000  }
0xf1: {  	[sflag:s16] =	ssyncset.done $0x0  }
0xf2: {  	[sflag:s16] =	ssyncadd.s32 $0xFFFFC000  }
0xf3: {  	[spmem:s2] =	stream.indirect.scatter.add.f32 [tilespmem:s14], [sflag:$0x2], $0x80, s17, s12, $0xb8;
	[tilespmem:$0x1D000] =	vst v63  }
0xf4: {  	_ =	swait.ge [sflag:s15], $0x4000  }
0xf5: {  	[sflag:s15] =	ssyncset.done $0x0  }
0xf6: {  	[sflag:s15] =	ssyncadd.s32 $0xFFFFC000  }
0xf7: {  	[tilespmem:s13], [sflag:$0x1] =	stream.indirect.gather [hbm4b:s4+s12], $0x80, s18, s12, $0xb8;
	[tilespmem:$0x1D000] =	vst v63  }
0xf8: {  	_ =	swait.ge [sflag:s16], $0x4000  }
0xf9: {  	[sflag:s16] =	ssyncset.done $0x0  }
0xfa: {  	[sflag:s16] =	ssyncadd.s32 $0xFFFFC000  }
0xfb: {  	[tilespmem:s14], [sflag:$0x2] =	stream.indirect.gather [hbm4b:s4+s12], $0x80, s19, s12, $0xb8;
	[tilespmem:$0x1D000] =	vst v63  }
0xfc: {  	_ =	swait.ge [sflag:s15], $0x4000  }
0xfd: {  	[sflag:s15] =	ssyncset.done $0x0  }
0xfe: {  	[sflag:s15] =	ssyncadd.s32 $0xFFFFC000  }
0xff: {  	[spmem:s2] =	stream.indirect.scatter.add.f32 [tilespmem:s13], [sflag:$0x1], $0x80, s20, s12, $0xb8;
	[tilespmem:$0x1D000] =	vst v63  }
0x100: {  	_ =	swait.ge [sflag:s16], $0x4000  }
0x101: {  	[sflag:s16] =	ssyncset.done $0x0  }
0x102: {  	[sflag:s16] =	ssyncadd.s32 $0xFFFFC000  }
0x103: {  	[spmem:s2] =	stream.indirect.scatter.add.f32 [tilespmem:s14], [sflag:$0x2], $0x80, s21, s12, $0xb8;
	[tilespmem:$0x1D000] =	vst v63  }
0x104: {  	_ =	swait.ge [sflag:s15], $0x4000  }
0x105: {  	[sflag:s15] =	ssyncset.done $0x0  }
0x106: {  	[sflag:s15] =	ssyncadd.s32 $0xFFFFC000  }
0x107: {  	[tilespmem:s13], [sflag:$0x1] =	stream.indirect.gather [hbm4b:s4+s12], $0x80, s22, s12, $0xb8;
	[tilespmem:$0x1D000] =	vst v63  }
0x108: {  	_ =	swait.ge [sflag:s16], $0x4000  }
0x109: {  	[sflag:s16] =	ssyncset.done $0x0  }
0x10a: {  	[sflag:s16] =	ssyncadd.s32 $0xFFFFC000  }
0x10b: {  	[tilespmem:s14], [sflag:$0x2] =	stream.indirect.gather [hbm4b:s4+s12], $0x80, s23, s12, $0xb8;
	[tilespmem:$0x1D000] =	vst v63  }
0x10c: {  	_ =	swait.ge [sflag:s15], $0x4000  }
0x10d: {  	[sflag:s15] =	ssyncset.done $0x0  }
0x10e: {  	[sflag:s15] =	ssyncadd.s32 $0xFFFFC000  }
0x10f: {  	[spmem:s2] =	stream.indirect.scatter.add.f32 [tilespmem:s13], [sflag:$0x1], $0x80, s24, s12, $0xb8;
	[tilespmem:$0x1D000] =	vst v63  }
0x110: {  	_ =	swait.ge [sflag:s16], $0x4000  }
0x111: {  	[sflag:s16] =	ssyncset.done $0x0  }
0x112: {  	[sflag:s16] =	ssyncadd.s32 $0xFFFFC000  }
0x113: {  	[spmem:s2] =	stream.indirect.scatter.add.f32 [tilespmem:s14], [sflag:$0x2], $0x80, s25, s12, $0xb8;
	[tilespmem:$0x1D000] =	vst v63  }
0x114: {  	_ =	swait.ge [sflag:s15], $0x4000  }
0x115: {  	[sflag:s15] =	ssyncset.done $0x0  }
0x116: {  	[sflag:s15] =	ssyncadd.s32 $0xFFFFC000  }
0x117: {  	[tilespmem:s13], [sflag:$0x1] =	stream.indirect.gather [hbm4b:s4+s12], $0x80, s26, s12, $0xb8;
	[tilespmem:$0x1D000] =	vst v63  }
0x118: {  	_ =	swait.ge [sflag:s16], $0x4000  }
0x119: {  	[sflag:s16] =	ssyncset.done $0x0  }
0x11a: {  	[sflag:s16] =	ssyncadd.s32 $0xFFFFC000  }
0x11b: {  	[tilespmem:s14], [sflag:$0x2] =	stream.indirect.gather [hbm4b:s4+s12], $0x80, s28, s12, $0xb8;
	[tilespmem:$0x1D000] =	vst v63  }
0x11c: {  	_ =	swait.ge [sflag:s15], $0x4000  }
0x11d: {  	[sflag:s15] =	ssyncset.done $0x0  }
0x11e: {  	[sflag:s15] =	ssyncadd.s32 $0xFFFFC000  }
0x11f: {  	[spmem:s2] =	stream.indirect.scatter.add.f32 [tilespmem:s13], [sflag:$0x1], $0x80, s29, s12, $0xb8;
	[tilespmem:$0x1D000] =	vst v63  }
0x120: {  	_ =	swait.ge [sflag:s16], $0x4000  }
0x121: {  	[sflag:s16] =	ssyncset.done $0x0  }
0x122: {  	[sflag:s16] =	ssyncadd.s32 $0xFFFFC000  }
0x123: {  	[spmem:s2] =	stream.indirect.scatter.add.f32 [tilespmem:s14], [sflag:$0x2], $0x80, s30, s12, $0xb8;
	[tilespmem:$0x1D000] =	vst v63  }
0x124: {  	_ =	swait.ge [sflag:s15], $0x4000  }
0x125: {  	[sflag:s15] =	ssyncset.done $0x0  }
0x126: {  	[sflag:s15] =	ssyncadd.s32 $0xFFFFC000  }
0x127: {  	[tilespmem:s13], [sflag:$0x1] =	stream.indirect.gather [hbm4b:s4+s12], $0x80, s31, s12, $0xb8;
	[tilespmem:$0x1D000] =	vst v63  }
0x128: {  	_ =	swait.ge [sflag:s16], $0x4000  }
0x129: {  	[sflag:s16] =	ssyncset.done $0x0  }
0x12a: {  	[sflag:s16] =	ssyncadd.s32 $0xFFFFC000  }
0x12b: {  	[tilespmem:s14], [sflag:$0x2] =	stream.indirect.gather [hbm4b:s4+s12], $0x80, s0, s12, $0xb8;
	[tilespmem:$0x1D000] =	vst v63  }
0x12c: {  	_ =	swait.ge [sflag:s15], $0x4000  }
0x12d: {  	[sflag:s15] =	ssyncset.done $0x0  }
0x12e: {  	[sflag:s15] =	ssyncadd.s32 $0xFFFFC000  }
0x12f: {  	[spmem:s2] =	stream.indirect.scatter.add.f32 [tilespmem:s13], [sflag:$0x1], $0x80, s1, s12, $0xb8;
	[tilespmem:$0x1D000] =	vst v63  }
0x130: {  	_ =	swait.ge [sflag:s16], $0x4000  }
0x131: {  	[sflag:s16] =	ssyncset.done $0x0  }
0x132: {  	p0 =	sne.s32 s6, $0x900;
	[sflag:s16] =	ssyncadd.s32 $0xFFFFC000  }
0x133: {  	[spmem:s2] =	stream.indirect.scatter.add.f32 [tilespmem:s14], [sflag:$0x2], $0x80, s5, s12, $0xb8;
	[tilespmem:$0x1D000] =	vst v63  }
.Ltmp0:
0x134: {  	_ =	swait.ge [sflag:s15], $0x4000;
	(pc) =	sbr.rel @p0 .LBB2_2-.Ltmp0, $4  }
0x135: {  	[sflag:s15] =	ssyncset.done $0x0  }
0x136: {  	[sflag:s15] =	ssyncadd.s32 $0xFFFFC000  }
0x137: {  	s7 =	smov.u32 s6;
	s6 =	sadd.s32 $0x100, s6;
	_ =	swait.ge [sflag:s16], $0x4000  }
0x138: {  	s8 =	smov.u32 s7;
	s9 =	rddreg [dreg:$0x4];
	[sflag:s16] =	ssyncset.done $0x0  }
0x139: {  	[sflag:s16] =	ssyncadd.s32 $0xFFFFC000;
	s6 =	sadd.s32 s8, s9  }
0x13a: {  	[tilespmem:s3], [sflag:$0x3] =	stream.linear.gather [hbm4b:s6+s3], $0x800, $0x38;
	[tilespmem:$0x1D000] =	vst v63  }
0x13b: {  	_ =	swait.ge [sflag:s10], $0x800  }
0x13c: {  	s7 =	rddreg [dreg:$0x3];
	[sflag:s10] =	ssyncset.done $0x0  }
0x13d: {  	s6 =	sadd.s32 s8, s7;
	[sflag:s10] =	ssyncadd.s32 $0xFFFFF800  }
0x13e: {  	[tilespmem:s11], [sflag:$0x3] =	stream.linear.gather [hbm4b:s6+s3], $0x800, $0x38;
	[tilespmem:$0x1D000] =	vst v63  }
0x13f: {  	_ =	swait.ge [sflag:s10], $0x800  }
0x140: {  	[sflag:s10] =	ssyncset.done $0x0  }
0x141: {  	[sflag:s10] =	ssyncadd.s32 $0xFFFFF800  }
0x142: {  	[tilespmem:s13], [sflag:$0x1] =	stream.indirect.gather [hbm4b:s4+s12], $0x80, s3, s12, $0xb8;
	[tilespmem:$0x1D000] =	vst v63  }
0x143: {  	_ = 	snop  }
0x144: {  	[tilespmem:s14], [sflag:$0x2] =	stream.indirect.gather [hbm4b:s4+s12], $0x80, s12, s12, $0xb8;
	[tilespmem:$0x1D000] =	vst v63  }
0x145: {  	_ =	swait.ge [sflag:s15], $0x4000  }
0x146: {  	[sflag:s15] =	ssyncset.done $0x0  }
0x147: {  	[sflag:s15] =	ssyncadd.s32 $0xFFFFC000  }
0x148: {  	[spmem:s2] =	stream.indirect.scatter.add.f32 [tilespmem:s13], [sflag:$0x1], $0x80, s11, s12, $0xb8;
	[tilespmem:$0x1D000] =	vst v63  }
0x149: {  	_ =	swait.ge [sflag:s16], $0x4000  }
0x14a: {  	[sflag:s16] =	ssyncset.done $0x0  }
0x14b: {  	s9 =	rddreg [dreg:$0x5];
	[sflag:s16] =	ssyncadd.s32 $0xFFFFC000  }
0x14c: {  	[spmem:s2] =	stream.indirect.scatter.add.f32 [tilespmem:s14], [sflag:$0x2], $0x80, s9, s12, $0xb8;
	[tilespmem:$0x1D000] =	vst v63  }
0x14d: {  	_ =	swait.ge [sflag:s15], $0x4000  }
0x14e: {  	[sflag:s15] =	ssyncset.done $0x0  }
0x14f: {  	s7 =	rddreg [dreg:$0x6];
	[sflag:s15] =	ssyncadd.s32 $0xFFFFC000  }
0x150: {  	[tilespmem:s13], [sflag:$0x1] =	stream.indirect.gather [hbm4b:s4+s12], $0x80, s7, s12, $0xb8;
	[tilespmem:$0x1D000] =	vst v63  }
0x151: {  	_ =	swait.ge [sflag:s16], $0x4000  }
0x152: {  	[sflag:s16] =	ssyncset.done $0x0  }
0x153: {  	s8 =	rddreg [dreg:$0x7];
	[sflag:s16] =	ssyncadd.s32 $0xFFFFC000  }
0x154: {  	[tilespmem:s14], [sflag:$0x2] =	stream.indirect.gather [hbm4b:s4+s12], $0x80, s8, s12, $0xb8;
	[tilespmem:$0x1D000] =	vst v63  }
0x155: {  	_ =	swait.ge [sflag:s15], $0x4000  }
0x156: {  	[sflag:s15] =	ssyncset.done $0x0  }
0x157: {  	s9 =	rddreg [dreg:$0x8];
	[sflag:s15] =	ssyncadd.s32 $0xFFFFC000  }
0x158: {  	[spmem:s2] =	stream.indirect.scatter.add.f32 [tilespmem:s13], [sflag:$0x1], $0x80, s9, s12, $0xb8;
	[tilespmem:$0x1D000] =	vst v63  }
0x159: {  	_ =	swait.ge [sflag:s16], $0x4000  }
0x15a: {  	[sflag:s16] =	ssyncset.done $0x0  }
0x15b: {  	s7 =	rddreg [dreg:$0x9];
	[sflag:s16] =	ssyncadd.s32 $0xFFFFC000  }
0x15c: {  	[spmem:s2] =	stream.indirect.scatter.add.f32 [tilespmem:s14], [sflag:$0x2], $0x80, s7, s12, $0xb8;
	[tilespmem:$0x1D000] =	vst v63  }
0x15d: {  	_ =	swait.ge [sflag:s15], $0x4000  }
0x15e: {  	[sflag:s15] =	ssyncset.done $0x0  }
0x15f: {  	s8 =	rddreg [dreg:$0xa];
	[sflag:s15] =	ssyncadd.s32 $0xFFFFC000  }
0x160: {  	[tilespmem:s13], [sflag:$0x1] =	stream.indirect.gather [hbm4b:s4+s12], $0x80, s8, s12, $0xb8;
	[tilespmem:$0x1D000] =	vst v63  }
0x161: {  	_ =	swait.ge [sflag:s16], $0x4000  }
0x162: {  	[sflag:s16] =	ssyncset.done $0x0  }
0x163: {  	s9 =	rddreg [dreg:$0xb];
	[sflag:s16] =	ssyncadd.s32 $0xFFFFC000  }
0x164: {  	[tilespmem:s14], [sflag:$0x2] =	stream.indirect.gather [hbm4b:s4+s12], $0x80, s9, s12, $0xb8;
	[tilespmem:$0x1D000] =	vst v63  }
0x165: {  	_ =	swait.ge [sflag:s15], $0x4000  }
0x166: {  	[sflag:s15] =	ssyncset.done $0x0  }
0x167: {  	s7 =	rddreg [dreg:$0xc];
	[sflag:s15] =	ssyncadd.s32 $0xFFFFC000  }
0x168: {  	[spmem:s2] =	stream.indirect.scatter.add.f32 [tilespmem:s13], [sflag:$0x1], $0x80, s7, s12, $0xb8;
	[tilespmem:$0x1D000] =	vst v63  }
0x169: {  	_ =	swait.ge [sflag:s16], $0x4000  }
0x16a: {  	[sflag:s16] =	ssyncset.done $0x0  }
0x16b: {  	s8 =	rddreg [dreg:$0xd];
	[sflag:s16] =	ssyncadd.s32 $0xFFFFC000  }
0x16c: {  	[spmem:s2] =	stream.indirect.scatter.add.f32 [tilespmem:s14], [sflag:$0x2], $0x80, s8, s12, $0xb8;
	[tilespmem:$0x1D000] =	vst v63  }
0x16d: {  	_ =	swait.ge [sflag:s15], $0x4000  }
0x16e: {  	[sflag:s15] =	ssyncset.done $0x0  }
0x16f: {  	s9 =	rddreg [dreg:$0xe];
	[sflag:s15] =	ssyncadd.s32 $0xFFFFC000  }
0x170: {  	[tilespmem:s13], [sflag:$0x1] =	stream.indirect.gather [hbm4b:s4+s12], $0x80, s9, s12, $0xb8;
	[tilespmem:$0x1D000] =	vst v63  }
0x171: {  	_ =	swait.ge [sflag:s16], $0x4000  }
0x172: {  	[sflag:s16] =	ssyncset.done $0x0  }
0x173: {  	s7 =	rddreg [dreg:$0xf];
	[sflag:s16] =	ssyncadd.s32 $0xFFFFC000  }
0x174: {  	[tilespmem:s14], [sflag:$0x2] =	stream.indirect.gather [hbm4b:s4+s12], $0x80, s7, s12, $0xb8;
	[tilespmem:$0x1D000] =	vst v63  }
0x175: {  	_ =	swait.ge [sflag:s15], $0x4000  }
0x176: {  	[sflag:s15] =	ssyncset.done $0x0  }
0x177: {  	s8 =	rddreg [dreg:$0x10];
	[sflag:s15] =	ssyncadd.s32 $0xFFFFC000  }
0x178: {  	[spmem:s2] =	stream.indirect.scatter.add.f32 [tilespmem:s13], [sflag:$0x1], $0x80, s8, s12, $0xb8;
	[tilespmem:$0x1D000] =	vst v63  }
0x179: {  	_ =	swait.ge [sflag:s16], $0x4000  }
0x17a: {  	[sflag:s16] =	ssyncset.done $0x0  }
0x17b: {  	[sflag:s16] =	ssyncadd.s32 $0xFFFFC000  }
0x17c: {  	[spmem:s2] =	stream.indirect.scatter.add.f32 [tilespmem:s14], [sflag:$0x2], $0x80, s17, s12, $0xb8;
	[tilespmem:$0x1D000] =	vst v63  }
0x17d: {  	_ =	swait.ge [sflag:s15], $0x4000  }
0x17e: {  	[sflag:s15] =	ssyncset.done $0x0  }
0x17f: {  	[sflag:s15] =	ssyncadd.s32 $0xFFFFC000  }
0x180: {  	[tilespmem:s13], [sflag:$0x1] =	stream.indirect.gather [hbm4b:s4+s12], $0x80, s18, s12, $0xb8;
	[tilespmem:$0x1D000] =	vst v63  }
0x181: {  	_ =	swait.ge [sflag:s16], $0x4000  }
0x182: {  	[sflag:s16] =	ssyncset.done $0x0  }
0x183: {  	[sflag:s16] =	ssyncadd.s32 $0xFFFFC000  }
0x184: {  	[tilespmem:s14], [sflag:$0x2] =	stream.indirect.gather [hbm4b:s4+s12], $0x80, s19, s12, $0xb8;
	[tilespmem:$0x1D000] =	vst v63  }
0x185: {  	_ =	swait.ge [sflag:s15], $0x4000  }
0x186: {  	[sflag:s15] =	ssyncset.done $0x0  }
0x187: {  	[sflag:s15] =	ssyncadd.s32 $0xFFFFC000  }
0x188: {  	[spmem:s2] =	stream.indirect.scatter.add.f32 [tilespmem:s13], [sflag:$0x1], $0x80, s20, s12, $0xb8;
	[tilespmem:$0x1D000] =	vst v63  }
0x189: {  	_ =	swait.ge [sflag:s16], $0x4000  }
0x18a: {  	[sflag:s16] =	ssyncset.done $0x0  }
0x18b: {  	[sflag:s16] =	ssyncadd.s32 $0xFFFFC000  }
0x18c: {  	[spmem:s2] =	stream.indirect.scatter.add.f32 [tilespmem:s14], [sflag:$0x2], $0x80, s21, s12, $0xb8;
	[tilespmem:$0x1D000] =	vst v63  }
0x18d: {  	_ =	swait.ge [sflag:s15], $0x4000  }
0x18e: {  	[sflag:s15] =	ssyncset.done $0x0  }
0x18f: {  	[sflag:s15] =	ssyncadd.s32 $0xFFFFC000  }
0x190: {  	[tilespmem:s13], [sflag:$0x1] =	stream.indirect.gather [hbm4b:s4+s12], $0x80, s22, s12, $0xb8;
	[tilespmem:$0x1D000] =	vst v63  }
0x191: {  	_ =	swait.ge [sflag:s16], $0x4000  }
0x192: {  	[sflag:s16] =	ssyncset.done $0x0  }
0x193: {  	[sflag:s16] =	ssyncadd.s32 $0xFFFFC000  }
0x194: {  	[tilespmem:s14], [sflag:$0x2] =	stream.indirect.gather [hbm4b:s4+s12], $0x80, s23, s12, $0xb8;
	[tilespmem:$0x1D000] =	vst v63  }
0x195: {  	_ =	swait.ge [sflag:s15], $0x4000  }
0x196: {  	[sflag:s15] =	ssyncset.done $0x0  }
0x197: {  	[sflag:s15] =	ssyncadd.s32 $0xFFFFC000  }
0x198: {  	[spmem:s2] =	stream.indirect.scatter.add.f32 [tilespmem:s13], [sflag:$0x1], $0x80, s24, s12, $0xb8;
	[tilespmem:$0x1D000] =	vst v63  }
0x199: {  	_ =	swait.ge [sflag:s16], $0x4000  }
0x19a: {  	[sflag:s16] =	ssyncset.done $0x0  }
0x19b: {  	[sflag:s16] =	ssyncadd.s32 $0xFFFFC000  }
0x19c: {  	[spmem:s2] =	stream.indirect.scatter.add.f32 [tilespmem:s14], [sflag:$0x2], $0x80, s25, s12, $0xb8;
	[tilespmem:$0x1D000] =	vst v63  }
0x19d: {  	_ =	swait.ge [sflag:s15], $0x4000  }
0x19e: {  	[sflag:s15] =	ssyncset.done $0x0  }
0x19f: {  	[sflag:s15] =	ssyncadd.s32 $0xFFFFC000  }
0x1a0: {  	[tilespmem:s13], [sflag:$0x1] =	stream.indirect.gather [hbm4b:s4+s12], $0x80, s26, s12, $0xb8;
	[tilespmem:$0x1D000] =	vst v63  }
0x1a1: {  	_ =	swait.ge [sflag:s16], $0x4000  }
0x1a2: {  	[sflag:s16] =	ssyncset.done $0x0  }
0x1a3: {  	[sflag:s16] =	ssyncadd.s32 $0xFFFFC000  }
0x1a4: {  	[tilespmem:s14], [sflag:$0x2] =	stream.indirect.gather [hbm4b:s4+s12], $0x80, s28, s12, $0xb8;
	[tilespmem:$0x1D000] =	vst v63  }
0x1a5: {  	_ =	swait.ge [sflag:s15], $0x4000  }
0x1a6: {  	[sflag:s15] =	ssyncset.done $0x0  }
0x1a7: {  	[sflag:s15] =	ssyncadd.s32 $0xFFFFC000  }
0x1a8: {  	[spmem:s2] =	stream.indirect.scatter.add.f32 [tilespmem:s13], [sflag:$0x1], $0x80, s29, s12, $0xb8;
	[tilespmem:$0x1D000] =	vst v63  }
0x1a9: {  	_ =	swait.ge [sflag:s16], $0x4000  }
0x1aa: {  	[sflag:s16] =	ssyncset.done $0x0  }
0x1ab: {  	[sflag:s16] =	ssyncadd.s32 $0xFFFFC000  }
0x1ac: {  	[spmem:s2] =	stream.indirect.scatter.add.f32 [tilespmem:s14], [sflag:$0x2], $0x80, s30, s12, $0xb8;
	[tilespmem:$0x1D000] =	vst v63  }
0x1ad: {  	_ =	swait.ge [sflag:s15], $0x4000  }
0x1ae: {  	[sflag:s15] =	ssyncset.done $0x0  }
0x1af: {  	[sflag:s15] =	ssyncadd.s32 $0xFFFFC000  }
0x1b0: {  	[tilespmem:s13], [sflag:$0x1] =	stream.indirect.gather [hbm4b:s4+s12], $0x80, s31, s12, $0xb8;
	[tilespmem:$0x1D000] =	vst v63  }
0x1b1: {  	_ =	swait.ge [sflag:s16], $0x4000  }
0x1b2: {  	[sflag:s16] =	ssyncset.done $0x0  }
0x1b3: {  	[sflag:s16] =	ssyncadd.s32 $0xFFFFC000  }
0x1b4: {  	[tilespmem:s14], [sflag:$0x2] =	stream.indirect.gather [hbm4b:s4+s12], $0x80, s0, s12, $0xb8;
	[tilespmem:$0x1D000] =	vst v63  }
0x1b5: {  	_ =	swait.ge [sflag:s15], $0x4000  }
0x1b6: {  	[sflag:s15] =	ssyncset.done $0x0  }
0x1b7: {  	[sflag:s15] =	ssyncadd.s32 $0xFFFFC000  }
0x1b8: {  	[spmem:s2] =	stream.indirect.scatter.add.f32 [tilespmem:s13], [sflag:$0x1], $0x80, s1, s12, $0xb8;
	[tilespmem:$0x1D000] =	vst v63  }
0x1b9: {  	_ =	swait.ge [sflag:s16], $0x4000  }
0x1ba: {  	[sflag:s16] =	ssyncset.done $0x0  }
0x1bb: {  	[sflag:s16] =	ssyncadd.s32 $0xFFFFC000  }
0x1bc: {  	[spmem:s2] =	stream.indirect.scatter.add.f32 [tilespmem:s14], [sflag:$0x2], $0x80, s5, s12, $0xb8;
	[tilespmem:$0x1D000] =	vst v63  }
0x1bd: {  	_ =	swait.ge [sflag:s15], $0x4000  }
0x1be: {  	[sflag:s15] =	ssyncset.done $0x0  }
0x1bf: {  	[sflag:s15] =	ssyncadd.s32 $0xFFFFC000  }
0x1c0: {  	_ =	swait.ge [sflag:s16], $0x4000  }
0x1c1: {  	[sflag:s16] =	ssyncset.done $0x0  }
0x1c2: {  	[sflag:s16] =	ssyncadd.s32 $0xFFFFC000  }
0x1c3: {  	[bflag:$0x0] =	sbarrier.arrive $0xFFFF  }
0x1c4: {  	s7 =	rddreg [dreg:$0x12]  }
0x1c5: {  	s9 =	rddreg [dreg:$0x13]  }
0x1c6: {  	s8 =	rddreg [dreg:$0x15]  }
0x1c7: {  	[hbm:s9], [sflag:s7] =	dma.local [spmem:s8], $0x2800  }
0x1c8: {  	_ =	swait.ge [sflag:s10], $0x2800  }
0x1c9: {  	s6 =	rddreg [dreg:$0x16]  }
0x1ca: {  	s9 =	sadd.s32 $0x1, s6;
	s6 =	rddreg [dreg:$0x14]  }
0x1cb: {  	p0 =	sne.s32 s9, s6  }
.Ltmp1:
0x1cc: {  	_ = 	snop;
	(pc) =	sbr.rel @p0 .LBB2_1-.Ltmp1, $3  }
0x1cd: {  	_ =	sdelay $0x1  }
0x1ce: {  	[sflag:s10] =	ssyncset.done $0x0  }
0x1cf: {  	[sflag:s10] =	ssyncadd.s32 $0xFFFFD800  }
0x1d0: {  	_ =	sfence.sel $0x180000  }
0x1d1: {  	[bflag:$0x0] =	sbarrier.arrive $0xFFFF  }
0x1d2: {  	_ =	strace $0x9000004A  }
0x1d3: {  	s0 =	stileid.u32;
	[bflag:$0x2] =	sbarrier.arrive $0xFFFF  }
0x1d4: {  	p0 =	sne.s32 s0, $0x0;
	s0 =	rddreg [dreg:$0x2]  }
0x1d5: {  	s0 =	sadd.s32 @!p0 $0x100000, s0  }
0x1d6: {  	[sflag:s0] =	ssyncadd.tile.s32 @!p0 $0x1;
	_ =	shalt  }
.Lfunc_end2:
_tile_overlayer_lowered:
.L_overlay_start_2:
0x1d7: {  	(tag) =	ssettag $0x2  }
0x1d8: {  	s0 =	rddreg [dreg:$0x0];
	s2 =	stileid.u32  }
0x1d9: {  	s1 =	rddreg [dreg:$0x1];
	p0 =	sne.s32 s2, $0x0  }
0x1da: {  	s3 =	rddreg [dreg:$0x2];
	[bflag:$0x3] =	sbarrier.arrive $0xFFFF;
	s2 =	simm.s32 @!p0 $0x1C03  }
0x1db: {  	[timem:s3], [sflag:s2] =	dma.local @!p0 [hbm:s0], s1  }
0x1dc: {  	s0 =	simm.s32 @!p0 $0x3  }
0x1dd: {  	_ =	swait.ge @!p0 [sflag:s0], s1  }
0x1de: {  	s1 =	ssub.s32 @!p0 $0x0, s1;
	[sflag:s0] =	ssyncset.done @!p0 $0x0  }
0x1df: {  	[sflag:s0] =	ssyncadd.s32 @!p0 s1  }
0x1e0: {  	[bflag:$0x3] =	sbarrier.arrive $0xFFFF  }
0x1e1: {  	_ =	shalt  }

// kernel: kernel.14.cloned.1.call-start
scs
__scs_entry_jumppad:
0x0: {  	(pc) =	sbr.rel $0x88, $3  }
0x1: {  	(tag) =	ssettag $0x0;
	lr =	simm.s32 $0x1  }
0x2: {  	[smem:$0x3F99] =	sst lr;
	_ =	strace $0xD0000000  }
0x3: {  	_ = 	snop  }
0x4: {  	_ = 	snop  }
0x5: {  	_ = 	snop  }
0x6: {  	_ = 	snop  }
0x7: {  	_ = 	snop  }
__scs_overlays_trampoline_lowered:
0x8: {  	[smem:$0x3FA8] =	sst s0  }
0x9: {  	[smem:$0x3FA9] =	sst s1  }
0xa: {  	[smem:$0x3FAA] =	sst s2  }
0xb: {  	[smem:$0x3FAB] =	sst s3  }
0xc: {  	[smem:$0x3FAC] =	sst s4  }
0xd: {  	[smem:$0x3FAD] =	sst s5  }
0xe: {  	[smem:$0x3FAE] =	sst s6  }
0xf: {  	[smem:$0x3FAF] =	sst s7  }
0x10: {  	[smem:$0x3FB0] =	sst s8  }
0x11: {  	[smem:$0x3FB1] =	sst s9;
	s0 =	simm.s32 @!p0 $0x0  }
0x12: {  	s1 =	sld [smem:$0x3F97];
	s0 =	simm.s32 @p0 $0x1  }
0x13: {  	[smem:$0x3FB2] =	sst s0;
	s0 =	simm.s32 @!p1 $0x0  }
0x14: {  	s2 =	sld [smem:$0x3F96];
	s0 =	simm.s32 @p1 $0x1  }
0x15: {  	[smem:$0x3FB3] =	sst s0;
	s0 =	simm.s32 @!p2 $0x0  }
0x16: {  	s3 =	sld [smem:$0x3FDB];
	s0 =	simm.s32 @p2 $0x1  }
0x17: {  	s4 =	simm.s32 $0x1BF5;
	[smem:$0x3FB5] =	sst s0  }
0x18: {  	s0 =	sld [smem:$0x3F98];
	_ =	swait.ge [sflag:s4], $0x0  }
0x19: {  	s7 =	sld [smem:$0x3F99]  }
0x1a: {  	s8 =	sadd.s32 $0xFFFFE003, lr  }
0x1b: {  	s9 =	sadd.s32 $0xFFFFFEF7, lr;
	s5 =	simm.s32 $0xFFFFFFFF;
	p2 =	slt.u32 s8, $0xFFFFF086  }
0x1c: {  	p1 =	slt.u32 s9, $0xF7A;
	s5 =	simm.s32 @!p2 $0x0  }
0x1d: {  	s5 =	simm.s32 @p1 $0x1;
	p0 =	seq.s32 s7, s2  }
0x1e: {  	s7 =	smul.u32 @!p0 $0xF7A, s2;
	p2 =	seq.s32 @!p0 s5, $0x0  }
0x1f: {  	s9 =	smul.u32 $0xF7A, s1;
	s8 =	simm.s32 @!p0 $0x1BF5;
	p2 =	por !p2, p0  }
0x20: {  	[sflag:s8] =	ssyncset.s32 @!p0 $0xFFFFF086;
	s6 =	sadd.s32 @!p0 s3, s7;
	s7 =	simm.s32 @!p0 $0x108  }
0x21: {  	s3 =	sadd.s32 s3, s9;
	s6 =	sadd.s32 @!p0 $0x88, s6;
	s7 =	simm.s32 @p2 $0x1082  }
0x22: {  	[simem:s7], [sflag:s8] =	dma.local @!p0 [hbm:s6], $0xF7A  }
0x23: {  	s9 =	sor.u32 $0xD0000000, s2;
	s6 =	simm.s32 $0x108;
	_ =	swait.ge @!p0 [sflag:s8], $0x0  }
0x24: {  	s3 =	sadd.s32 $0x88, s3;
	s6 =	simm.s32 @!p1 $0x1082;
	[sflag:s4] =	ssyncset.s32 $0xFFFFF086  }
0x25: {  	[simem:s6], [sflag:s4] =	dma.local [hbm:s3], $0xF7A  }
0x26: {  	[smem:$0x3F99] =	sst s1;
	(tag) =	ssettag s2;
	_ =	strace s9  }
0x27: {  	s1 =	sld [smem:$0x3FA9]  }
0x28: {  	s2 =	sld [smem:$0x3FAA]  }
0x29: {  	s4 =	sld [smem:$0x3FAC]  }
0x2a: {  	p0 =	seq.s32 s5, $0x0;
	s5 =	sld [smem:$0x3FAD]  }
0x2b: {  	s6 =	sld [smem:$0x3FAE]  }
0x2c: {  	s7 =	sld [smem:$0x3FAF]  }
0x2d: {  	s3 =	simm.s32 $0x108;
	s8 =	sld [smem:$0x3FB0]  }
0x2e: {  	s3 =	simm.s32 @!p0 $0x1082;
	s9 =	sld [smem:$0x3FB1]  }
0x2f: {  	lr =	sadd.s32 s0, s3;
	s0 =	sld [smem:$0x3FA8]  }
0x30: {  	s3 =	sld [smem:$0x3FAB]  }
0x31: {  	[smem:$0x3FB4] =	sst s10  }
0x32: {  	s10 =	sld [smem:$0x3FB2];
	_ =	sdelay $0x3  }
0x33: {  	p0 =	seq.s32 s10, $0x1;
	s10 =	sld [smem:$0x3FB4];
	_ =	sdelay $0x3  }
0x34: {  	[smem:$0x3FB4] =	sst s10  }
0x35: {  	s10 =	sld [smem:$0x3FB3];
	_ =	sdelay $0x3  }
0x36: {  	p1 =	seq.s32 s10, $0x1;
	s10 =	sld [smem:$0x3FB4];
	_ =	sdelay $0x3  }
0x37: {  	[smem:$0x3FB4] =	sst s10  }
0x38: {  	s10 =	sld [smem:$0x3FB5]  }
0x39: {  	_ = 	snop;
	(pc) =	sbr.ind lr, $3  }
0x3a: {  	_ = 	snop  }
0x3b: {  	_ = 	snop  }
0x3c: {  	p2 =	seq.s32 s10, $0x1;
	s10 =	sld [smem:$0x3FB4]  }
0x3d: {  	_ =	shalt  }
0x3e: {  	_ =	shalt  }
0x3f: {  	_ =	shalt  }
0x40: {  	_ =	shalt  }
0x41: {  	_ =	shalt  }
0x42: {  	_ =	shalt  }
0x43: {  	_ =	shalt  }
0x44: {  	_ =	shalt  }
0x45: {  	_ =	shalt  }
0x46: {  	_ =	shalt  }
0x47: {  	_ =	shalt  }
0x48: {  	_ =	shalt  }
0x49: {  	_ =	shalt  }
0x4a: {  	_ =	shalt  }
0x4b: {  	_ =	shalt  }
0x4c: {  	_ =	shalt  }
0x4d: {  	_ =	shalt  }
0x4e: {  	_ =	shalt  }
0x4f: {  	_ =	shalt  }
0x50: {  	_ =	shalt  }
0x51: {  	_ =	shalt  }
0x52: {  	_ =	shalt  }
0x53: {  	_ =	shalt  }
0x54: {  	_ =	shalt  }
0x55: {  	_ =	shalt  }
0x56: {  	_ =	shalt  }
0x57: {  	_ =	shalt  }
0x58: {  	_ =	shalt  }
0x59: {  	_ =	shalt  }
0x5a: {  	_ =	shalt  }
0x5b: {  	_ =	shalt  }
0x5c: {  	_ =	shalt  }
0x5d: {  	_ =	shalt  }
0x5e: {  	_ =	shalt  }
0x5f: {  	_ =	shalt  }
0x60: {  	_ =	shalt  }
0x61: {  	_ =	shalt  }
0x62: {  	_ =	shalt  }
0x63: {  	_ =	shalt  }
0x64: {  	_ =	shalt  }
0x65: {  	_ =	shalt  }
0x66: {  	_ =	shalt  }
0x67: {  	_ =	shalt  }
0x68: {  	_ =	shalt  }
0x69: {  	_ =	shalt  }
0x6a: {  	_ =	shalt  }
0x6b: {  	_ =	shalt  }
0x6c: {  	_ =	shalt  }
0x6d: {  	_ =	shalt  }
0x6e: {  	_ =	shalt  }
0x6f: {  	_ =	shalt  }
0x70: {  	_ =	shalt  }
0x71: {  	_ =	shalt  }
0x72: {  	_ =	shalt  }
0x73: {  	_ =	shalt  }
0x74: {  	_ =	shalt  }
0x75: {  	_ =	shalt  }
0x76: {  	_ =	shalt  }
0x77: {  	_ =	shalt  }
0x78: {  	_ =	shalt  }
0x79: {  	_ =	shalt  }
0x7a: {  	_ =	shalt  }
0x7b: {  	_ =	shalt  }
0x7c: {  	_ =	shalt  }
0x7d: {  	_ =	shalt  }
0x7e: {  	_ =	shalt  }
0x7f: {  	_ =	shalt  }
0x80: {  	_ =	shalt  }
0x81: {  	_ =	shalt  }
0x82: {  	_ =	shalt  }
0x83: {  	_ =	shalt  }
0x84: {  	_ =	shalt  }
0x85: {  	_ =	shalt  }
0x86: {  	_ =	shalt  }
0x87: {  	_ =	shalt  }
.Lfunc_end0:
.L_simem_size_0:
called_computation.2_lowered:
.L_overlay_start_0:
0x88: {  	s2 =	sld [smem:$0x3FD9]  }
0x89: {  	s3 =	sld [smem:$0x3FFE];
	_ =	sdelay $0x1  }
0x8a: {  	s1 =	srdreg.scid  }
0x8b: {  	s0 =	sand.u32 $0x1, s1  }
0x8c: {  	s16 =	sshll.u32 s0, $0xA;
	s2 =	sadd.s32 s3, s2  }
0x8d: {  	s2 =	sadd.s32 s2, s16  }
0x8e: {  	[smem:$0x3FC0] =	sst s2  }
0x8f: {  	_ = 	snop  }
0x90: {  	(tm) =	ssettm $0x1  }
0x91: {  	s17 =	sld [smem:$0x3FFB];
	_ =	sdelay $0x3  }
0x92: {  	_ =	strace s17  }
0x93: {  	s2 =	sld [smem:$0x3FFC];
	_ =	sdelay $0x3  }
0x94: {  	_ =	strace s2  }
0x95: {  	s2 =	sld [smem:$0x3FFD];
	_ =	sdelay $0x3  }
0x96: {  	_ =	strace s2  }
0x97: {  	_ =	strace $0x8FFFFFFF  }
0x98: {  	s18 =	sld [smem:$0x3FDB];
	_ =	sdelay $0x1  }
0x99: {  	s19 =	simm.s32 $_scs_section_size  }
0x9a: {  	s4 =	simm.s32 $_size__tile_overlayer_lowered;
	s5 =	simm.s32 $_tile_overlayer_lowered  }
0x9b: {  	s22 =	simm.s32 $0x1BFF;
	s21 =	sshll.u32 s5, $0x1;
	s2 =	sadd.s32 s19, s18  }
0x9c: {  	s6 =	simm.s32 $0x0;
	s20 =	sshll.u32 s4, $0x1;
	s4 =	sadd.s32 s21, s2  }
0x9d: {  	[timem:s6], [sflag:s22] =	dma.local [hbm:s4], s20  }
0x9e: {  	_ =	swait.ge [sflag:s22], s20  }
0x9f: {  	s3 =	ssub.s32 $0x0, s20;
	[sflag:s22] =	ssyncset.done $0x0  }
0xa0: {  	[sflag:s22] =	ssyncadd.s32 s3;
	_ =	sdelay $0x1  }
0xa1: {  	s23 =	simm.s32 $0x1B8B  }
0xa2: {  	_ =	swait.ge [sflag:s23], $0x1  }
0xa3: {  	[sflag:s23] =	ssyncset.done $0x0  }
0xa4: {  	s25 =	simm.s32 $0x1B8E;
	s24 =	sld [smem:$0x3FFE];
	[sflag:s23] =	ssyncadd.s32 $0xFFFFFFFF  }
0xa5: {  	s26 =	simm.s32 $execute0_lowered;
	[smem:$0x3FD2] =	sst s25  }
0xa6: {  	s4 =	sshll.u32 s26, $0x1;
	_ =	strace $0x8000004C;
	[dreg:$0x1] =	wrdreg $0xFFFFFFFF  }
0xa7: {  	s28 =	simm.s32 $_size_execute0_lowered;
	s2 =	sadd.s32 s2, s4;
	[dreg:$0x0] =	wrdreg $0x0  }
0xa8: {  	s4 =	sshll.u32 s28, $0x1;
	[dreg:$0x2] =	wrdreg s2  }
0xa9: {  	[dreg:$0x3] =	wrdreg s4  }
0xaa: {  	[dreg:$0x4] =	wrdreg $0xC0  }
0xab: {  	_ =	task [dreg:s6], $0x5FFFF  }
0xac: {  	[dreg:$0x1] =	wrdreg $0xFFFFFFFF  }
0xad: {  	[dreg:$0x0] =	wrdreg $0x60  }
0xae: {  	[dreg:$0x2] =	wrdreg s24  }
0xaf: {  	[dreg:$0x3] =	wrdreg $0x90000  }
0xb0: {  	[dreg:$0x4] =	wrdreg $0x9  }
0xb1: {  	_ =	task.clear_ibuf [dreg:s6], $0x5FFFF;
	_ =	strace $0x9000004C  }
0xb2: {  	s29 =	simm.s32 $0x9;
	_ =	strace $0x8000004E  }
0xb3: {  	_ =	swait.ge [sflag:s29], $0x1  }
0xb4: {  	[sflag:s29] =	ssyncadd.s32 $0xFFFFFFFF  }
0xb5: {  	_ =	strace $0x9000004E  }
0xb6: {  	_ =	sfence  }
0xb7: {  	s30 =	sld [smem:$0x0];
	_ =	sdelay $0x2  }
0xb8: {  	s31 =	sshll.u32 s1, $0xD;
	s1 =	sshrl.u32 s1, $0x2  }
0xb9: {  	s3 =	sand.u32 $0x4000, s31;
	s1 =	sadd.s32 s1, s30  }
0xba: {  	s0 =	sor.u32 s3, s0;
	s1 =	sshll.u32 s1, $0x11  }
0xbb: {  	s0 =	sor.u32 s1, s0  }
0xbc: {  	s0 =	sadd.s32 $0x8F2B, s0  }
0xbd: {  	[sflag:s0] =	ssyncadd.remote.s32 $0x1  }
0xbe: {  	_ =	sfence.sel $0xFFFF  }
0xbf: {  	[dreg:$0x0] =	wrdreg $0xFFFFFFFF;
	(pc) =	sbr.abs _section_cstart, $3  }
0xc0: {  	[dreg:$0x1] =	wrdreg $0xFFFFFFFF  }
0xc1: {  	_ =	task.clear_ibuf [dreg:s6], $0x2FFFF;
	_ =	strace $0x9FFFFFFF  }
0xc2: {  	(tm) =	ssettm $0x7FFFFFFF  }
0xc3: {  	_ =	shalt  }
tec
execute0_lowered:
.L_overlay_start_1:
0x0: {  	(tag) =	ssettag $0x1  }
0x1: {  	s0 =	rddreg [dreg:$0x0]  }
0x2: {  	s2 =	rddreg [dreg:$0x1];
	s10 =	stileid.u32  }
0x3: {  	s4 =	srdreg.scid;
	s3 =	simm.s32 $0x0;
	s13 =	simm.s32 $0x880  }
0x4: {  	s14 =	simm.s32 $0x100;
	s16 =	simm.s32 $0x180;
	s17 =	simm.s32 $0x900  }
0x5: {  	s18 =	simm.s32 $0x980;
	[smem:$0x7FF] =	sst s3;
	s8 =	sadd.s32 $0xC600, s0  }
0x6: {  	s20 =	simm.s32 $0x200;
	_ =	strace $0x8000004D;
	[dreg:$0x11] =	wrdreg s8  }
0x7: {  	s21 =	simm.s32 $0x280;
	s22 =	simm.s32 $0xA00;
	[dreg:$0x5] =	wrdreg s13  }
0x8: {  	s23 =	simm.s32 $0xA80;
	s28 =	simm.s32 $0x680;
	[dreg:$0x6] =	wrdreg s14  }
0x9: {  	s29 =	simm.s32 $0xE00;
	s30 =	simm.s32 $0xE80;
	[dreg:$0x7] =	wrdreg s16  }
0xa: {  	s31 =	simm.s32 $0x700;
	s1 =	smul.u32 $0xA00, s10;
	[dreg:$0x8] =	wrdreg s17  }
0xb: {  	s5 =	sand.u32 $0x1, s4;
	s6 =	smul.u32 $0x2800, s10;
	[dreg:$0x9] =	wrdreg s18  }
0xc: {  	s4 =	sadd.s32 $0x34600, s0;
	s26 =	smul.u32 $0x50000, s10;
	[dreg:$0xa] =	wrdreg s20  }
0xd: {  	s15 =	sshll.u32 s10, $0x6;
	s10 =	simm.s32 $0x3;
	[dreg:$0xb] =	wrdreg s21  }
0xe: {  	s7 =	smul.u32 $0x28000, s5;
	s24 =	ssub.s32 $0x2, s5;
	[dreg:$0xc] =	wrdreg s22  }
0xf: {  	s5 =	smul.u32 $0xA000, s5;
	[dreg:$0xd] =	wrdreg s23;
	s13 =	simm.s32 $0x1000  }
0x10: {  	s14 =	simm.s32 $0x5000;
	s16 =	simm.s32 $0x2;
	s17 =	simm.s32 $0xB80  }
0x11: {  	s18 =	simm.s32 $0x400;
	s20 =	simm.s32 $0xC00;
	s21 =	simm.s32 $0xC80  }
0x12: {  	s22 =	simm.s32 $0x500;
	s23 =	simm.s32 $0x580;
	s1 =	sadd.s32 s1, s0  }
0x13: {  	s25 =	sshrl.u32 s24, $0x1;
	s12 =	sshrl.u32 s26, $0x2;
	s26 =	simm.s32 $0xB00  }
0x14: {  	s6 =	sadd.s32 s6, s7;
	s9 =	sadd.s32 $0x2600, s1;
	s1 =	sadd.s32 s5, s1  }
0x15: {  	s11 =	ssub.s32 s24, s25;
	s7 =	sor.u32 $0x1C03, s15;
	s24 =	simm.s32 $0x300  }
0x16: {  	s25 =	simm.s32 $0x380;
	s15 =	simm.s32 $0x1;
	[dreg:$0x10] =	wrdreg s26  }
0x17: {  	s26 =	simm.s32 $0x600;
	s5 =	simm.s32 $0xF80;
	[dreg:$0x3] =	wrdreg s9  }
0x18: {  	s0 =	sadd.s32 s6, s0;
	s1 =	sadd.s32 $0x20600, s1;
	[dreg:$0xe] =	wrdreg s24  }
0x19: {  	s6 =	sadd.s32 s12, s2;
	s19 =	smax.u32 s11, $0x1;
	[dreg:$0xf] =	wrdreg s25  }
0x1a: {  	s11 =	simm.s32 $0x800;
	s12 =	simm.s32 $0x80;
	[dreg:$0x12] =	wrdreg s7  }
0x1b: {  	s24 =	simm.s32 $0xD00;
	s25 =	simm.s32 $0xD80;
	[dreg:$0x4] =	wrdreg s1  }
0x1c: {  	s9 =	simm.s32 $0x0;
	s0 =	sadd.s32 $0x84600, s0;
	[dreg:$0x14] =	wrdreg s19  }
0x1d: {  	s8 =	sshrl.u32 s6, $0x3;
	s19 =	simm.s32 $0x480;
	[dreg:$0x13] =	wrdreg s0  }
0x1e: {  	s1 =	simm.s32 $0xF00;
	s0 =	simm.s32 $0x780;
	[dreg:$0x15] =	wrdreg s8  }
.LBB2_1:
0x1f: {  	[dreg:$0x16] =	wrdreg s9  }
0x20: {  	s6 =	rddreg [dreg:$0x11]  }
0x21: {  	[spmem:s8], [sflag:s7] =	dma.local [hbm:s6], $0x2800  }
0x22: {  	_ =	swait.ge [sflag:s10], $0x2800  }
0x23: {  	[sflag:s10] =	ssyncset.done $0x0  }
0x24: {  	[sflag:s10] =	ssyncadd.s32 $0xFFFFD800  }
0x25: {  	[bflag:$0x0] =	sbarrier.arrive $0xFFFF  }
0x26: {  	s8 =	rddreg [dreg:$0x4]  }
0x27: {  	s6 =	sadd.s32 $0x0, s8  }
0x28: {  	[tilespmem:s3], [sflag:$0x3] =	stream.linear.gather [hbm4b:s6+s3], $0x800, $0x38;
	[tilespmem:$0x1D000] =	vst v63  }
0x29: {  	_ =	swait.ge [sflag:s10], $0x800  }
0x2a: {  	s9 =	rddreg [dreg:$0x3];
	[sflag:s10] =	ssyncset.done $0x0  }
0x2b: {  	[sflag:s10] =	ssyncadd.s32 $0xFFFFF800;
	s6 =	sadd.s32 $0x0, s9  }
0x2c: {  	[tilespmem:s11], [sflag:$0x3] =	stream.linear.gather [hbm4b:s6+s3], $0x800, $0x38;
	[tilespmem:$0x1D000] =	vst v63  }
0x2d: {  	_ =	swait.ge [sflag:s10], $0x800  }
0x2e: {  	[sflag:s10] =	ssyncset.done $0x0  }
0x2f: {  	[sflag:s10] =	ssyncadd.s32 $0xFFFFF800  }
0x30: {  	[tilespmem:s13], [sflag:$0x1] =	stream.indirect.gather [hbm4b:s4+s12], $0x80, s3, s12, $0xb8;
	[tilespmem:$0x1D000] =	vst v63  }
0x31: {  	_ = 	snop  }
0x32: {  	[tilespmem:s14], [sflag:$0x2] =	stream.indirect.gather [hbm4b:s4+s12], $0x80, s12, s12, $0xb8;
	[tilespmem:$0x1D000] =	vst v63  }
0x33: {  	_ =	swait.ge [sflag:s15], $0x4000  }
0x34: {  	[sflag:s15] =	ssyncset.done $0x0  }
0x35: {  	[sflag:s15] =	ssyncadd.s32 $0xFFFFC000  }
0x36: {  	[spmem:s2] =	stream.indirect.scatter.add.f32 [tilespmem:s13], [sflag:$0x1], $0x80, s11, s12, $0xb8;
	[tilespmem:$0x1D000] =	vst v63  }
0x37: {  	_ =	swait.ge [sflag:s16], $0x4000  }
0x38: {  	[sflag:s16] =	ssyncset.done $0x0  }
0x39: {  	s7 =	rddreg [dreg:$0x5];
	[sflag:s16] =	ssyncadd.s32 $0xFFFFC000  }
0x3a: {  	[spmem:s2] =	stream.indirect.scatter.add.f32 [tilespmem:s14], [sflag:$0x2], $0x80, s7, s12, $0xb8;
	[tilespmem:$0x1D000] =	vst v63  }
0x3b: {  	_ =	swait.ge [sflag:s15], $0x4000  }
0x3c: {  	[sflag:s15] =	ssyncset.done $0x0  }
0x3d: {  	s8 =	rddreg [dreg:$0x6];
	[sflag:s15] =	ssyncadd.s32 $0xFFFFC000  }
0x3e: {  	[tilespmem:s13], [sflag:$0x1] =	stream.indirect.gather [hbm4b:s4+s12], $0x80, s8, s12, $0xb8;
	[tilespmem:$0x1D000] =	vst v63  }
0x3f: {  	_ =	swait.ge [sflag:s16], $0x4000  }
0x40: {  	[sflag:s16] =	ssyncset.done $0x0  }
0x41: {  	s9 =	rddreg [dreg:$0x7];
	[sflag:s16] =	ssyncadd.s32 $0xFFFFC000  }
0x42: {  	[tilespmem:s14], [sflag:$0x2] =	stream.indirect.gather [hbm4b:s4+s12], $0x80, s9, s12, $0xb8;
	[tilespmem:$0x1D000] =	vst v63  }
0x43: {  	_ =	swait.ge [sflag:s15], $0x4000  }
0x44: {  	[sflag:s15] =	ssyncset.done $0x0  }
0x45: {  	s7 =	rddreg [dreg:$0x8];
	[sflag:s15] =	ssyncadd.s32 $0xFFFFC000  }
0x46: {  	[spmem:s2] =	stream.indirect.scatter.add.f32 [tilespmem:s13], [sflag:$0x1], $0x80, s7, s12, $0xb8;
	[tilespmem:$0x1D000] =	vst v63  }
0x47: {  	_ =	swait.ge [sflag:s16], $0x4000  }
0x48: {  	[sflag:s16] =	ssyncset.done $0x0  }
0x49: {  	s8 =	rddreg [dreg:$0x9];
	[sflag:s16] =	ssyncadd.s32 $0xFFFFC000  }
0x4a: {  	[spmem:s2] =	stream.indirect.scatter.add.f32 [tilespmem:s14], [sflag:$0x2], $0x80, s8, s12, $0xb8;
	[tilespmem:$0x1D000] =	vst v63  }
0x4b: {  	_ =	swait.ge [sflag:s15], $0x4000  }
0x4c: {  	[sflag:s15] =	ssyncset.done $0x0  }
0x4d: {  	s9 =	rddreg [dreg:$0xa];
	[sflag:s15] =	ssyncadd.s32 $0xFFFFC000  }
0x4e: {  	[tilespmem:s13], [sflag:$0x1] =	stream.indirect.gather [hbm4b:s4+s12], $0x80, s9, s12, $0xb8;
	[tilespmem:$0x1D000] =	vst v63  }
0x4f: {  	_ =	swait.ge [sflag:s16], $0x4000  }
0x50: {  	[sflag:s16] =	ssyncset.done $0x0  }
0x51: {  	s7 =	rddreg [dreg:$0xb];
	[sflag:s16] =	ssyncadd.s32 $0xFFFFC000  }
0x52: {  	[tilespmem:s14], [sflag:$0x2] =	stream.indirect.gather [hbm4b:s4+s12], $0x80, s7, s12, $0xb8;
	[tilespmem:$0x1D000] =	vst v63  }
0x53: {  	_ =	swait.ge [sflag:s15], $0x4000  }
0x54: {  	[sflag:s15] =	ssyncset.done $0x0  }
0x55: {  	s8 =	rddreg [dreg:$0xc];
	[sflag:s15] =	ssyncadd.s32 $0xFFFFC000  }
0x56: {  	[spmem:s2] =	stream.indirect.scatter.add.f32 [tilespmem:s13], [sflag:$0x1], $0x80, s8, s12, $0xb8;
	[tilespmem:$0x1D000] =	vst v63  }
0x57: {  	_ =	swait.ge [sflag:s16], $0x4000  }
0x58: {  	[sflag:s16] =	ssyncset.done $0x0  }
0x59: {  	s9 =	rddreg [dreg:$0xd];
	[sflag:s16] =	ssyncadd.s32 $0xFFFFC000  }
0x5a: {  	[spmem:s2] =	stream.indirect.scatter.add.f32 [tilespmem:s14], [sflag:$0x2], $0x80, s9, s12, $0xb8;
	[tilespmem:$0x1D000] =	vst v63  }
0x5b: {  	_ =	swait.ge [sflag:s15], $0x4000  }
0x5c: {  	[sflag:s15] =	ssyncset.done $0x0  }
0x5d: {  	s7 =	rddreg [dreg:$0xe];
	[sflag:s15] =	ssyncadd.s32 $0xFFFFC000  }
0x5e: {  	[tilespmem:s13], [sflag:$0x1] =	stream.indirect.gather [hbm4b:s4+s12], $0x80, s7, s12, $0xb8;
	[tilespmem:$0x1D000] =	vst v63  }
0x5f: {  	_ =	swait.ge [sflag:s16], $0x4000  }
0x60: {  	[sflag:s16] =	ssyncset.done $0x0  }
0x61: {  	s8 =	rddreg [dreg:$0xf];
	[sflag:s16] =	ssyncadd.s32 $0xFFFFC000  }
0x62: {  	[tilespmem:s14], [sflag:$0x2] =	stream.indirect.gather [hbm4b:s4+s12], $0x80, s8, s12, $0xb8;
	[tilespmem:$0x1D000] =	vst v63  }
0x63: {  	_ =	swait.ge [sflag:s15], $0x4000  }
0x64: {  	[sflag:s15] =	ssyncset.done $0x0  }
0x65: {  	s9 =	rddreg [dreg:$0x10];
	[sflag:s15] =	ssyncadd.s32 $0xFFFFC000  }
0x66: {  	[spmem:s2] =	stream.indirect.scatter.add.f32 [tilespmem:s13], [sflag:$0x1], $0x80, s9, s12, $0xb8;
	[tilespmem:$0x1D000] =	vst v63  }
0x67: {  	_ =	swait.ge [sflag:s16], $0x4000  }
0x68: {  	[sflag:s16] =	ssyncset.done $0x0  }
0x69: {  	[sflag:s16] =	ssyncadd.s32 $0xFFFFC000  }
0x6a: {  	[spmem:s2] =	stream.indirect.scatter.add.f32 [tilespmem:s14], [sflag:$0x2], $0x80, s17, s12, $0xb8;
	[tilespmem:$0x1D000] =	vst v63  }
0x6b: {  	_ =	swait.ge [sflag:s15], $0x4000  }
0x6c: {  	[sflag:s15] =	ssyncset.done $0x0  }
0x6d: {  	[sflag:s15] =	ssyncadd.s32 $0xFFFFC000  }
0x6e: {  	[tilespmem:s13], [sflag:$0x1] =	stream.indirect.gather [hbm4b:s4+s12], $0x80, s18, s12, $0xb8;
	[tilespmem:$0x1D000] =	vst v63  }
0x6f: {  	_ =	swait.ge [sflag:s16], $0x4000  }
0x70: {  	[sflag:s16] =	ssyncset.done $0x0  }
0x71: {  	[sflag:s16] =	ssyncadd.s32 $0xFFFFC000  }
0x72: {  	[tilespmem:s14], [sflag:$0x2] =	stream.indirect.gather [hbm4b:s4+s12], $0x80, s19, s12, $0xb8;
	[tilespmem:$0x1D000] =	vst v63  }
0x73: {  	_ =	swait.ge [sflag:s15], $0x4000  }
0x74: {  	[sflag:s15] =	ssyncset.done $0x0  }
0x75: {  	[sflag:s15] =	ssyncadd.s32 $0xFFFFC000  }
0x76: {  	[spmem:s2] =	stream.indirect.scatter.add.f32 [tilespmem:s13], [sflag:$0x1], $0x80, s20, s12, $0xb8;
	[tilespmem:$0x1D000] =	vst v63  }
0x77: {  	_ =	swait.ge [sflag:s16], $0x4000  }
0x78: {  	[sflag:s16] =	ssyncset.done $0x0  }
0x79: {  	[sflag:s16] =	ssyncadd.s32 $0xFFFFC000  }
0x7a: {  	[spmem:s2] =	stream.indirect.scatter.add.f32 [tilespmem:s14], [sflag:$0x2], $0x80, s21, s12, $0xb8;
	[tilespmem:$0x1D000] =	vst v63  }
0x7b: {  	_ =	swait.ge [sflag:s15], $0x4000  }
0x7c: {  	[sflag:s15] =	ssyncset.done $0x0  }
0x7d: {  	[sflag:s15] =	ssyncadd.s32 $0xFFFFC000  }
0x7e: {  	[tilespmem:s13], [sflag:$0x1] =	stream.indirect.gather [hbm4b:s4+s12], $0x80, s22, s12, $0xb8;
	[tilespmem:$0x1D000] =	vst v63  }
0x7f: {  	_ =	swait.ge [sflag:s16], $0x4000  }
0x80: {  	[sflag:s16] =	ssyncset.done $0x0  }
0x81: {  	[sflag:s16] =	ssyncadd.s32 $0xFFFFC000  }
0x82: {  	[tilespmem:s14], [sflag:$0x2] =	stream.indirect.gather [hbm4b:s4+s12], $0x80, s23, s12, $0xb8;
	[tilespmem:$0x1D000] =	vst v63  }
0x83: {  	_ =	swait.ge [sflag:s15], $0x4000  }
0x84: {  	[sflag:s15] =	ssyncset.done $0x0  }
0x85: {  	[sflag:s15] =	ssyncadd.s32 $0xFFFFC000  }
0x86: {  	[spmem:s2] =	stream.indirect.scatter.add.f32 [tilespmem:s13], [sflag:$0x1], $0x80, s24, s12, $0xb8;
	[tilespmem:$0x1D000] =	vst v63  }
0x87: {  	_ =	swait.ge [sflag:s16], $0x4000  }
0x88: {  	[sflag:s16] =	ssyncset.done $0x0  }
0x89: {  	[sflag:s16] =	ssyncadd.s32 $0xFFFFC000  }
0x8a: {  	[spmem:s2] =	stream.indirect.scatter.add.f32 [tilespmem:s14], [sflag:$0x2], $0x80, s25, s12, $0xb8;
	[tilespmem:$0x1D000] =	vst v63  }
0x8b: {  	_ =	swait.ge [sflag:s15], $0x4000  }
0x8c: {  	[sflag:s15] =	ssyncset.done $0x0  }
0x8d: {  	[sflag:s15] =	ssyncadd.s32 $0xFFFFC000  }
0x8e: {  	[tilespmem:s13], [sflag:$0x1] =	stream.indirect.gather [hbm4b:s4+s12], $0x80, s26, s12, $0xb8;
	[tilespmem:$0x1D000] =	vst v63  }
0x8f: {  	_ =	swait.ge [sflag:s16], $0x4000  }
0x90: {  	[sflag:s16] =	ssyncset.done $0x0  }
0x91: {  	[sflag:s16] =	ssyncadd.s32 $0xFFFFC000  }
0x92: {  	[tilespmem:s14], [sflag:$0x2] =	stream.indirect.gather [hbm4b:s4+s12], $0x80, s28, s12, $0xb8;
	[tilespmem:$0x1D000] =	vst v63  }
0x93: {  	_ =	swait.ge [sflag:s15], $0x4000  }
0x94: {  	[sflag:s15] =	ssyncset.done $0x0  }
0x95: {  	[sflag:s15] =	ssyncadd.s32 $0xFFFFC000  }
0x96: {  	[spmem:s2] =	stream.indirect.scatter.add.f32 [tilespmem:s13], [sflag:$0x1], $0x80, s29, s12, $0xb8;
	[tilespmem:$0x1D000] =	vst v63  }
0x97: {  	_ =	swait.ge [sflag:s16], $0x4000  }
0x98: {  	[sflag:s16] =	ssyncset.done $0x0  }
0x99: {  	[sflag:s16] =	ssyncadd.s32 $0xFFFFC000  }
0x9a: {  	[spmem:s2] =	stream.indirect.scatter.add.f32 [tilespmem:s14], [sflag:$0x2], $0x80, s30, s12, $0xb8;
	[tilespmem:$0x1D000] =	vst v63  }
0x9b: {  	_ =	swait.ge [sflag:s15], $0x4000  }
0x9c: {  	[sflag:s15] =	ssyncset.done $0x0  }
0x9d: {  	[sflag:s15] =	ssyncadd.s32 $0xFFFFC000  }
0x9e: {  	[tilespmem:s13], [sflag:$0x1] =	stream.indirect.gather [hbm4b:s4+s12], $0x80, s31, s12, $0xb8;
	[tilespmem:$0x1D000] =	vst v63  }
0x9f: {  	_ =	swait.ge [sflag:s16], $0x4000  }
0xa0: {  	[sflag:s16] =	ssyncset.done $0x0  }
0xa1: {  	[sflag:s16] =	ssyncadd.s32 $0xFFFFC000  }
0xa2: {  	[tilespmem:s14], [sflag:$0x2] =	stream.indirect.gather [hbm4b:s4+s12], $0x80, s0, s12, $0xb8;
	[tilespmem:$0x1D000] =	vst v63  }
0xa3: {  	_ =	swait.ge [sflag:s15], $0x4000  }
0xa4: {  	[sflag:s15] =	ssyncset.done $0x0  }
0xa5: {  	[sflag:s15] =	ssyncadd.s32 $0xFFFFC000  }
0xa6: {  	[spmem:s2] =	stream.indirect.scatter.add.f32 [tilespmem:s13], [sflag:$0x1], $0x80, s1, s12, $0xb8;
	[tilespmem:$0x1D000] =	vst v63  }
0xa7: {  	_ =	swait.ge [sflag:s16], $0x4000  }
0xa8: {  	[sflag:s16] =	ssyncset.done $0x0  }
0xa9: {  	[sflag:s16] =	ssyncadd.s32 $0xFFFFC000  }
0xaa: {  	[spmem:s2] =	stream.indirect.scatter.add.f32 [tilespmem:s14], [sflag:$0x2], $0x80, s5, s12, $0xb8;
	[tilespmem:$0x1D000] =	vst v63  }
0xab: {  	_ =	swait.ge [sflag:s15], $0x4000  }
0xac: {  	[sflag:s15] =	ssyncset.done $0x0  }
0xad: {  	[sflag:s15] =	ssyncadd.s32 $0xFFFFC000  }
0xae: {  	s6 =	simm.s32 $0x200;
	_ =	swait.ge [sflag:s16], $0x4000  }
0xaf: {  	s8 =	simm.s32 $0x100;
	s9 =	rddreg [dreg:$0x4];
	[sflag:s16] =	ssyncset.done $0x0  }
.LBB2_2:
0xb0: {  	[sflag:s16] =	ssyncadd.s32 $0xFFFFC000;
	s9 =	sadd.s32 s8, s9  }
0xb1: {  	[tilespmem:s3], [sflag:$0x3] =	stream.linear.gather [hbm4b:s9+s3], $0x800, $0x38;
	[tilespmem:$0x1D000] =	vst v63  }
0xb2: {  	_ =	swait.ge [sflag:s10], $0x800  }
0xb3: {  	s9 =	rddreg [dreg:$0x3];
	[sflag:s10] =	ssyncset.done $0x0  }
0xb4: {  	[sflag:s10] =	ssyncadd.s32 $0xFFFFF800;
	s9 =	sadd.s32 s8, s9  }
0xb5: {  	[tilespmem:s11], [sflag:$0x3] =	stream.linear.gather [hbm4b:s9+s3], $0x800, $0x38;
	[tilespmem:$0x1D000] =	vst v63  }
0xb6: {  	_ =	swait.ge [sflag:s10], $0x800  }
0xb7: {  	[sflag:s10] =	ssyncset.done $0x0  }
0xb8: {  	[sflag:s10] =	ssyncadd.s32 $0xFFFFF800  }
0xb9: {  	[tilespmem:s13], [sflag:$0x1] =	stream.indirect.gather [hbm4b:s4+s12], $0x80, s3, s12, $0xb8;
	[tilespmem:$0x1D000] =	vst v63  }
0xba: {  	_ = 	snop  }
0xbb: {  	[tilespmem:s14], [sflag:$0x2] =	stream.indirect.gather [hbm4b:s4+s12], $0x80, s12, s12, $0xb8;
	[tilespmem:$0x1D000] =	vst v63  }
0xbc: {  	_ =	swait.ge [sflag:s15], $0x4000  }
0xbd: {  	[sflag:s15] =	ssyncset.done $0x0  }
0xbe: {  	[sflag:s15] =	ssyncadd.s32 $0xFFFFC000  }
0xbf: {  	[spmem:s2] =	stream.indirect.scatter.add.f32 [tilespmem:s13], [sflag:$0x1], $0x80, s11, s12, $0xb8;
	[tilespmem:$0x1D000] =	vst v63  }
0xc0: {  	_ =	swait.ge [sflag:s16], $0x4000  }
0xc1: {  	[sflag:s16] =	ssyncset.done $0x0  }
0xc2: {  	s9 =	rddreg [dreg:$0x5];
	[sflag:s16] =	ssyncadd.s32 $0xFFFFC000  }
0xc3: {  	[spmem:s2] =	stream.indirect.scatter.add.f32 [tilespmem:s14], [sflag:$0x2], $0x80, s9, s12, $0xb8;
	[tilespmem:$0x1D000] =	vst v63  }
0xc4: {  	_ =	swait.ge [sflag:s15], $0x4000  }
0xc5: {  	[sflag:s15] =	ssyncset.done $0x0  }
0xc6: {  	s9 =	rddreg [dreg:$0x6];
	[sflag:s15] =	ssyncadd.s32 $0xFFFFC000  }
0xc7: {  	[tilespmem:s13], [sflag:$0x1] =	stream.indirect.gather [hbm4b:s4+s12], $0x80, s9, s12, $0xb8;
	[tilespmem:$0x1D000] =	vst v63  }
0xc8: {  	_ =	swait.ge [sflag:s16], $0x4000  }
0xc9: {  	[sflag:s16] =	ssyncset.done $0x0  }
0xca: {  	s9 =	rddreg [dreg:$0x7];
	[sflag:s16] =	ssyncadd.s32 $0xFFFFC000  }
0xcb: {  	[tilespmem:s14], [sflag:$0x2] =	stream.indirect.gather [hbm4b:s4+s12], $0x80, s9, s12, $0xb8;
	[tilespmem:$0x1D000] =	vst v63  }
0xcc: {  	_ =	swait.ge [sflag:s15], $0x4000  }
0xcd: {  	[sflag:s15] =	ssyncset.done $0x0  }
0xce: {  	s9 =	rddreg [dreg:$0x8];
	[sflag:s15] =	ssyncadd.s32 $0xFFFFC000  }
0xcf: {  	[spmem:s2] =	stream.indirect.scatter.add.f32 [tilespmem:s13], [sflag:$0x1], $0x80, s9, s12, $0xb8;
	[tilespmem:$0x1D000] =	vst v63  }
0xd0: {  	_ =	swait.ge [sflag:s16], $0x4000  }
0xd1: {  	[sflag:s16] =	ssyncset.done $0x0  }
0xd2: {  	s9 =	rddreg [dreg:$0x9];
	[sflag:s16] =	ssyncadd.s32 $0xFFFFC000  }
0xd3: {  	[spmem:s2] =	stream.indirect.scatter.add.f32 [tilespmem:s14], [sflag:$0x2], $0x80, s9, s12, $0xb8;
	[tilespmem:$0x1D000] =	vst v63  }
0xd4: {  	_ =	swait.ge [sflag:s15], $0x4000  }
0xd5: {  	[sflag:s15] =	ssyncset.done $0x0  }
0xd6: {  	s9 =	rddreg [dreg:$0xa];
	[sflag:s15] =	ssyncadd.s32 $0xFFFFC000  }
0xd7: {  	[tilespmem:s13], [sflag:$0x1] =	stream.indirect.gather [hbm4b:s4+s12], $0x80, s9, s12, $0xb8;
	[tilespmem:$0x1D000] =	vst v63  }
0xd8: {  	_ =	swait.ge [sflag:s16], $0x4000  }
0xd9: {  	[sflag:s16] =	ssyncset.done $0x0  }
0xda: {  	s9 =	rddreg [dreg:$0xb];
	[sflag:s16] =	ssyncadd.s32 $0xFFFFC000  }
0xdb: {  	[tilespmem:s14], [sflag:$0x2] =	stream.indirect.gather [hbm4b:s4+s12], $0x80, s9, s12, $0xb8;
	[tilespmem:$0x1D000] =	vst v63  }
0xdc: {  	_ =	swait.ge [sflag:s15], $0x4000  }
0xdd: {  	[sflag:s15] =	ssyncset.done $0x0  }
0xde: {  	s9 =	rddreg [dreg:$0xc];
	[sflag:s15] =	ssyncadd.s32 $0xFFFFC000  }
0xdf: {  	[spmem:s2] =	stream.indirect.scatter.add.f32 [tilespmem:s13], [sflag:$0x1], $0x80, s9, s12, $0xb8;
	[tilespmem:$0x1D000] =	vst v63  }
0xe0: {  	_ =	swait.ge [sflag:s16], $0x4000  }
0xe1: {  	[sflag:s16] =	ssyncset.done $0x0  }
0xe2: {  	s9 =	rddreg [dreg:$0xd];
	[sflag:s16] =	ssyncadd.s32 $0xFFFFC000  }
0xe3: {  	[spmem:s2] =	stream.indirect.scatter.add.f32 [tilespmem:s14], [sflag:$0x2], $0x80, s9, s12, $0xb8;
	[tilespmem:$0x1D000] =	vst v63  }
0xe4: {  	_ =	swait.ge [sflag:s15], $0x4000  }
0xe5: {  	[sflag:s15] =	ssyncset.done $0x0  }
0xe6: {  	s9 =	rddreg [dreg:$0xe];
	[sflag:s15] =	ssyncadd.s32 $0xFFFFC000  }
0xe7: {  	[tilespmem:s13], [sflag:$0x1] =	stream.indirect.gather [hbm4b:s4+s12], $0x80, s9, s12, $0xb8;
	[tilespmem:$0x1D000] =	vst v63  }
0xe8: {  	_ =	swait.ge [sflag:s16], $0x4000  }
0xe9: {  	[sflag:s16] =	ssyncset.done $0x0  }
0xea: {  	s9 =	rddreg [dreg:$0xf];
	[sflag:s16] =	ssyncadd.s32 $0xFFFFC000  }
0xeb: {  	[tilespmem:s14], [sflag:$0x2] =	stream.indirect.gather [hbm4b:s4+s12], $0x80, s9, s12, $0xb8;
	[tilespmem:$0x1D000] =	vst v63  }
0xec: {  	_ =	swait.ge [sflag:s15], $0x4000  }
0xed: {  	[sflag:s15] =	ssyncset.done $0x0  }
0xee: {  	s9 =	rddreg [dreg:$0x10];
	[sflag:s15] =	ssyncadd.s32 $0xFFFFC000  }
0xef: {  	[spmem:s2] =	stream.indirect.scatter.add.f32 [tilespmem:s13], [sflag:$0x1], $0x80, s9, s12, $0xb8;
	[tilespmem:$0x1D000] =	vst v63  }
0xf0: {  	_ =	swait.ge [sflag:s16], $0x4000  }
0xf1: {  	[sflag:s16] =	ssyncset.done $0x0  }
0xf2: {  	[sflag:s16] =	ssyncadd.s32 $0xFFFFC000  }
0xf3: {  	[spmem:s2] =	stream.indirect.scatter.add.f32 [tilespmem:s14], [sflag:$0x2], $0x80, s17, s12, $0xb8;
	[tilespmem:$0x1D000] =	vst v63  }
0xf4: {  	_ =	swait.ge [sflag:s15], $0x4000  }
0xf5: {  	[sflag:s15] =	ssyncset.done $0x0  }
0xf6: {  	[sflag:s15] =	ssyncadd.s32 $0xFFFFC000  }
0xf7: {  	[tilespmem:s13], [sflag:$0x1] =	stream.indirect.gather [hbm4b:s4+s12], $0x80, s18, s12, $0xb8;
	[tilespmem:$0x1D000] =	vst v63  }
0xf8: {  	_ =	swait.ge [sflag:s16], $0x4000  }
0xf9: {  	[sflag:s16] =	ssyncset.done $0x0  }
0xfa: {  	[sflag:s16] =	ssyncadd.s32 $0xFFFFC000  }
0xfb: {  	[tilespmem:s14], [sflag:$0x2] =	stream.indirect.gather [hbm4b:s4+s12], $0x80, s19, s12, $0xb8;
	[tilespmem:$0x1D000] =	vst v63  }
0xfc: {  	_ =	swait.ge [sflag:s15], $0x4000  }
0xfd: {  	[sflag:s15] =	ssyncset.done $0x0  }
0xfe: {  	[sflag:s15] =	ssyncadd.s32 $0xFFFFC000  }
0xff: {  	[spmem:s2] =	stream.indirect.scatter.add.f32 [tilespmem:s13], [sflag:$0x1], $0x80, s20, s12, $0xb8;
	[tilespmem:$0x1D000] =	vst v63  }
0x100: {  	_ =	swait.ge [sflag:s16], $0x4000  }
0x101: {  	[sflag:s16] =	ssyncset.done $0x0  }
0x102: {  	[sflag:s16] =	ssyncadd.s32 $0xFFFFC000  }
0x103: {  	[spmem:s2] =	stream.indirect.scatter.add.f32 [tilespmem:s14], [sflag:$0x2], $0x80, s21, s12, $0xb8;
	[tilespmem:$0x1D000] =	vst v63  }
0x104: {  	_ =	swait.ge [sflag:s15], $0x4000  }
0x105: {  	[sflag:s15] =	ssyncset.done $0x0  }
0x106: {  	[sflag:s15] =	ssyncadd.s32 $0xFFFFC000  }
0x107: {  	[tilespmem:s13], [sflag:$0x1] =	stream.indirect.gather [hbm4b:s4+s12], $0x80, s22, s12, $0xb8;
	[tilespmem:$0x1D000] =	vst v63  }
0x108: {  	_ =	swait.ge [sflag:s16], $0x4000  }
0x109: {  	[sflag:s16] =	ssyncset.done $0x0  }
0x10a: {  	[sflag:s16] =	ssyncadd.s32 $0xFFFFC000  }
0x10b: {  	[tilespmem:s14], [sflag:$0x2] =	stream.indirect.gather [hbm4b:s4+s12], $0x80, s23, s12, $0xb8;
	[tilespmem:$0x1D000] =	vst v63  }
0x10c: {  	_ =	swait.ge [sflag:s15], $0x4000  }
0x10d: {  	[sflag:s15] =	ssyncset.done $0x0  }
0x10e: {  	[sflag:s15] =	ssyncadd.s32 $0xFFFFC000  }
0x10f: {  	[spmem:s2] =	stream.indirect.scatter.add.f32 [tilespmem:s13], [sflag:$0x1], $0x80, s24, s12, $0xb8;
	[tilespmem:$0x1D000] =	vst v63  }
0x110: {  	_ =	swait.ge [sflag:s16], $0x4000  }
0x111: {  	[sflag:s16] =	ssyncset.done $0x0  }
0x112: {  	[sflag:s16] =	ssyncadd.s32 $0xFFFFC000  }
0x113: {  	[spmem:s2] =	stream.indirect.scatter.add.f32 [tilespmem:s14], [sflag:$0x2], $0x80, s25, s12, $0xb8;
	[tilespmem:$0x1D000] =	vst v63  }
0x114: {  	_ =	swait.ge [sflag:s15], $0x4000  }
0x115: {  	[sflag:s15] =	ssyncset.done $0x0  }
0x116: {  	[sflag:s15] =	ssyncadd.s32 $0xFFFFC000  }
0x117: {  	[tilespmem:s13], [sflag:$0x1] =	stream.indirect.gather [hbm4b:s4+s12], $0x80, s26, s12, $0xb8;
	[tilespmem:$0x1D000] =	vst v63  }
0x118: {  	_ =	swait.ge [sflag:s16], $0x4000  }
0x119: {  	[sflag:s16] =	ssyncset.done $0x0  }
0x11a: {  	[sflag:s16] =	ssyncadd.s32 $0xFFFFC000  }
0x11b: {  	[tilespmem:s14], [sflag:$0x2] =	stream.indirect.gather [hbm4b:s4+s12], $0x80, s28, s12, $0xb8;
	[tilespmem:$0x1D000] =	vst v63  }
0x11c: {  	_ =	swait.ge [sflag:s15], $0x4000  }
0x11d: {  	[sflag:s15] =	ssyncset.done $0x0  }
0x11e: {  	[sflag:s15] =	ssyncadd.s32 $0xFFFFC000  }
0x11f: {  	[spmem:s2] =	stream.indirect.scatter.add.f32 [tilespmem:s13], [sflag:$0x1], $0x80, s29, s12, $0xb8;
	[tilespmem:$0x1D000] =	vst v63  }
0x120: {  	_ =	swait.ge [sflag:s16], $0x4000  }
0x121: {  	[sflag:s16] =	ssyncset.done $0x0  }
0x122: {  	[sflag:s16] =	ssyncadd.s32 $0xFFFFC000  }
0x123: {  	[spmem:s2] =	stream.indirect.scatter.add.f32 [tilespmem:s14], [sflag:$0x2], $0x80, s30, s12, $0xb8;
	[tilespmem:$0x1D000] =	vst v63  }
0x124: {  	_ =	swait.ge [sflag:s15], $0x4000  }
0x125: {  	[sflag:s15] =	ssyncset.done $0x0  }
0x126: {  	[sflag:s15] =	ssyncadd.s32 $0xFFFFC000  }
0x127: {  	[tilespmem:s13], [sflag:$0x1] =	stream.indirect.gather [hbm4b:s4+s12], $0x80, s31, s12, $0xb8;
	[tilespmem:$0x1D000] =	vst v63  }
0x128: {  	_ =	swait.ge [sflag:s16], $0x4000  }
0x129: {  	[sflag:s16] =	ssyncset.done $0x0  }
0x12a: {  	[sflag:s16] =	ssyncadd.s32 $0xFFFFC000  }
0x12b: {  	[tilespmem:s14], [sflag:$0x2] =	stream.indirect.gather [hbm4b:s4+s12], $0x80, s0, s12, $0xb8;
	[tilespmem:$0x1D000] =	vst v63  }
0x12c: {  	_ =	swait.ge [sflag:s15], $0x4000  }
0x12d: {  	[sflag:s15] =	ssyncset.done $0x0  }
0x12e: {  	[sflag:s15] =	ssyncadd.s32 $0xFFFFC000  }
0x12f: {  	[spmem:s2] =	stream.indirect.scatter.add.f32 [tilespmem:s13], [sflag:$0x1], $0x80, s1, s12, $0xb8;
	[tilespmem:$0x1D000] =	vst v63  }
0x130: {  	_ =	swait.ge [sflag:s16], $0x4000  }
0x131: {  	[sflag:s16] =	ssyncset.done $0x0  }
0x132: {  	p0 =	sne.s32 s6, $0x900;
	[sflag:s16] =	ssyncadd.s32 $0xFFFFC000  }
0x133: {  	[spmem:s2] =	stream.indirect.scatter.add.f32 [tilespmem:s14], [sflag:$0x2], $0x80, s5, s12, $0xb8;
	[tilespmem:$0x1D000] =	vst v63  }
.Ltmp0:
0x134: {  	_ =	swait.ge [sflag:s15], $0x4000;
	(pc) =	sbr.rel @p0 .LBB2_2-.Ltmp0, $4  }
0x135: {  	[sflag:s15] =	ssyncset.done $0x0  }
0x136: {  	[sflag:s15] =	ssyncadd.s32 $0xFFFFC000  }
0x137: {  	s7 =	smov.u32 s6;
	s6 =	sadd.s32 $0x100, s6;
	_ =	swait.ge [sflag:s16], $0x4000  }
0x138: {  	s8 =	smov.u32 s7;
	s9 =	rddreg [dreg:$0x4];
	[sflag:s16] =	ssyncset.done $0x0  }
0x139: {  	[sflag:s16] =	ssyncadd.s32 $0xFFFFC000;
	s6 =	sadd.s32 s8, s9  }
0x13a: {  	[tilespmem:s3], [sflag:$0x3] =	stream.linear.gather [hbm4b:s6+s3], $0x800, $0x38;
	[tilespmem:$0x1D000] =	vst v63  }
0x13b: {  	_ =	swait.ge [sflag:s10], $0x800  }
0x13c: {  	s7 =	rddreg [dreg:$0x3];
	[sflag:s10] =	ssyncset.done $0x0  }
0x13d: {  	s6 =	sadd.s32 s8, s7;
	[sflag:s10] =	ssyncadd.s32 $0xFFFFF800  }
0x13e: {  	[tilespmem:s11], [sflag:$0x3] =	stream.linear.gather [hbm4b:s6+s3], $0x800, $0x38;
	[tilespmem:$0x1D000] =	vst v63  }
0x13f: {  	_ =	swait.ge [sflag:s10], $0x800  }
0x140: {  	[sflag:s10] =	ssyncset.done $0x0  }
0x141: {  	[sflag:s10] =	ssyncadd.s32 $0xFFFFF800  }
0x142: {  	[tilespmem:s13], [sflag:$0x1] =	stream.indirect.gather [hbm4b:s4+s12], $0x80, s3, s12, $0xb8;
	[tilespmem:$0x1D000] =	vst v63  }
0x143: {  	_ = 	snop  }
0x144: {  	[tilespmem:s14], [sflag:$0x2] =	stream.indirect.gather [hbm4b:s4+s12], $0x80, s12, s12, $0xb8;
	[tilespmem:$0x1D000] =	vst v63  }
0x145: {  	_ =	swait.ge [sflag:s15], $0x4000  }
0x146: {  	[sflag:s15] =	ssyncset.done $0x0  }
0x147: {  	[sflag:s15] =	ssyncadd.s32 $0xFFFFC000  }
0x148: {  	[spmem:s2] =	stream.indirect.scatter.add.f32 [tilespmem:s13], [sflag:$0x1], $0x80, s11, s12, $0xb8;
	[tilespmem:$0x1D000] =	vst v63  }
0x149: {  	_ =	swait.ge [sflag:s16], $0x4000  }
0x14a: {  	[sflag:s16] =	ssyncset.done $0x0  }
0x14b: {  	s9 =	rddreg [dreg:$0x5];
	[sflag:s16] =	ssyncadd.s32 $0xFFFFC000  }
0x14c: {  	[spmem:s2] =	stream.indirect.scatter.add.f32 [tilespmem:s14], [sflag:$0x2], $0x80, s9, s12, $0xb8;
	[tilespmem:$0x1D000] =	vst v63  }
0x14d: {  	_ =	swait.ge [sflag:s15], $0x4000  }
0x14e: {  	[sflag:s15] =	ssyncset.done $0x0  }
0x14f: {  	s7 =	rddreg [dreg:$0x6];
	[sflag:s15] =	ssyncadd.s32 $0xFFFFC000  }
0x150: {  	[tilespmem:s13], [sflag:$0x1] =	stream.indirect.gather [hbm4b:s4+s12], $0x80, s7, s12, $0xb8;
	[tilespmem:$0x1D000] =	vst v63  }
0x151: {  	_ =	swait.ge [sflag:s16], $0x4000  }
0x152: {  	[sflag:s16] =	ssyncset.done $0x0  }
0x153: {  	s8 =	rddreg [dreg:$0x7];
	[sflag:s16] =	ssyncadd.s32 $0xFFFFC000  }
0x154: {  	[tilespmem:s14], [sflag:$0x2] =	stream.indirect.gather [hbm4b:s4+s12], $0x80, s8, s12, $0xb8;
	[tilespmem:$0x1D000] =	vst v63  }
0x155: {  	_ =	swait.ge [sflag:s15], $0x4000  }
0x156: {  	[sflag:s15] =	ssyncset.done $0x0  }
0x157: {  	s9 =	rddreg [dreg:$0x8];
	[sflag:s15] =	ssyncadd.s32 $0xFFFFC000  }
0x158: {  	[spmem:s2] =	stream.indirect.scatter.add.f32 [tilespmem:s13], [sflag:$0x1], $0x80, s9, s12, $0xb8;
	[tilespmem:$0x1D000] =	vst v63  }
0x159: {  	_ =	swait.ge [sflag:s16], $0x4000  }
0x15a: {  	[sflag:s16] =	ssyncset.done $0x0  }
0x15b: {  	s7 =	rddreg [dreg:$0x9];
	[sflag:s16] =	ssyncadd.s32 $0xFFFFC000  }
0x15c: {  	[spmem:s2] =	stream.indirect.scatter.add.f32 [tilespmem:s14], [sflag:$0x2], $0x80, s7, s12, $0xb8;
	[tilespmem:$0x1D000] =	vst v63  }
0x15d: {  	_ =	swait.ge [sflag:s15], $0x4000  }
0x15e: {  	[sflag:s15] =	ssyncset.done $0x0  }
0x15f: {  	s8 =	rddreg [dreg:$0xa];
	[sflag:s15] =	ssyncadd.s32 $0xFFFFC000  }
0x160: {  	[tilespmem:s13], [sflag:$0x1] =	stream.indirect.gather [hbm4b:s4+s12], $0x80, s8, s12, $0xb8;
	[tilespmem:$0x1D000] =	vst v63  }
0x161: {  	_ =	swait.ge [sflag:s16], $0x4000  }
0x162: {  	[sflag:s16] =	ssyncset.done $0x0  }
0x163: {  	s9 =	rddreg [dreg:$0xb];
	[sflag:s16] =	ssyncadd.s32 $0xFFFFC000  }
0x164: {  	[tilespmem:s14], [sflag:$0x2] =	stream.indirect.gather [hbm4b:s4+s12], $0x80, s9, s12, $0xb8;
	[tilespmem:$0x1D000] =	vst v63  }
0x165: {  	_ =	swait.ge [sflag:s15], $0x4000  }
0x166: {  	[sflag:s15] =	ssyncset.done $0x0  }
0x167: {  	s7 =	rddreg [dreg:$0xc];
	[sflag:s15] =	ssyncadd.s32 $0xFFFFC000  }
0x168: {  	[spmem:s2] =	stream.indirect.scatter.add.f32 [tilespmem:s13], [sflag:$0x1], $0x80, s7, s12, $0xb8;
	[tilespmem:$0x1D000] =	vst v63  }
0x169: {  	_ =	swait.ge [sflag:s16], $0x4000  }
0x16a: {  	[sflag:s16] =	ssyncset.done $0x0  }
0x16b: {  	s8 =	rddreg [dreg:$0xd];
	[sflag:s16] =	ssyncadd.s32 $0xFFFFC000  }
0x16c: {  	[spmem:s2] =	stream.indirect.scatter.add.f32 [tilespmem:s14], [sflag:$0x2], $0x80, s8, s12, $0xb8;
	[tilespmem:$0x1D000] =	vst v63  }
0x16d: {  	_ =	swait.ge [sflag:s15], $0x4000  }
0x16e: {  	[sflag:s15] =	ssyncset.done $0x0  }
0x16f: {  	s9 =	rddreg [dreg:$0xe];
	[sflag:s15] =	ssyncadd.s32 $0xFFFFC000  }
0x170: {  	[tilespmem:s13], [sflag:$0x1] =	stream.indirect.gather [hbm4b:s4+s12], $0x80, s9, s12, $0xb8;
	[tilespmem:$0x1D000] =	vst v63  }
0x171: {  	_ =	swait.ge [sflag:s16], $0x4000  }
0x172: {  	[sflag:s16] =	ssyncset.done $0x0  }
0x173: {  	s7 =	rddreg [dreg:$0xf];
	[sflag:s16] =	ssyncadd.s32 $0xFFFFC000  }
0x174: {  	[tilespmem:s14], [sflag:$0x2] =	stream.indirect.gather [hbm4b:s4+s12], $0x80, s7, s12, $0xb8;
	[tilespmem:$0x1D000] =	vst v63  }
0x175: {  	_ =	swait.ge [sflag:s15], $0x4000  }
0x176: {  	[sflag:s15] =	ssyncset.done $0x0  }
0x177: {  	s8 =	rddreg [dreg:$0x10];
	[sflag:s15] =	ssyncadd.s32 $0xFFFFC000  }
0x178: {  	[spmem:s2] =	stream.indirect.scatter.add.f32 [tilespmem:s13], [sflag:$0x1], $0x80, s8, s12, $0xb8;
	[tilespmem:$0x1D000] =	vst v63  }
0x179: {  	_ =	swait.ge [sflag:s16], $0x4000  }
0x17a: {  	[sflag:s16] =	ssyncset.done $0x0  }
0x17b: {  	[sflag:s16] =	ssyncadd.s32 $0xFFFFC000  }
0x17c: {  	[spmem:s2] =	stream.indirect.scatter.add.f32 [tilespmem:s14], [sflag:$0x2], $0x80, s17, s12, $0xb8;
	[tilespmem:$0x1D000] =	vst v63  }
0x17d: {  	_ =	swait.ge [sflag:s15], $0x4000  }
0x17e: {  	[sflag:s15] =	ssyncset.done $0x0  }
0x17f: {  	[sflag:s15] =	ssyncadd.s32 $0xFFFFC000  }
0x180: {  	[tilespmem:s13], [sflag:$0x1] =	stream.indirect.gather [hbm4b:s4+s12], $0x80, s18, s12, $0xb8;
	[tilespmem:$0x1D000] =	vst v63  }
0x181: {  	_ =	swait.ge [sflag:s16], $0x4000  }
0x182: {  	[sflag:s16] =	ssyncset.done $0x0  }
0x183: {  	[sflag:s16] =	ssyncadd.s32 $0xFFFFC000  }
0x184: {  	[tilespmem:s14], [sflag:$0x2] =	stream.indirect.gather [hbm4b:s4+s12], $0x80, s19, s12, $0xb8;
	[tilespmem:$0x1D000] =	vst v63  }
0x185: {  	_ =	swait.ge [sflag:s15], $0x4000  }
0x186: {  	[sflag:s15] =	ssyncset.done $0x0  }
0x187: {  	[sflag:s15] =	ssyncadd.s32 $0xFFFFC000  }
0x188: {  	[spmem:s2] =	stream.indirect.scatter.add.f32 [tilespmem:s13], [sflag:$0x1], $0x80, s20, s12, $0xb8;
	[tilespmem:$0x1D000] =	vst v63  }
0x189: {  	_ =	swait.ge [sflag:s16], $0x4000  }
0x18a: {  	[sflag:s16] =	ssyncset.done $0x0  }
0x18b: {  	[sflag:s16] =	ssyncadd.s32 $0xFFFFC000  }
0x18c: {  	[spmem:s2] =	stream.indirect.scatter.add.f32 [tilespmem:s14], [sflag:$0x2], $0x80, s21, s12, $0xb8;
	[tilespmem:$0x1D000] =	vst v63  }
0x18d: {  	_ =	swait.ge [sflag:s15], $0x4000  }
0x18e: {  	[sflag:s15] =	ssyncset.done $0x0  }
0x18f: {  	[sflag:s15] =	ssyncadd.s32 $0xFFFFC000  }
0x190: {  	[tilespmem:s13], [sflag:$0x1] =	stream.indirect.gather [hbm4b:s4+s12], $0x80, s22, s12, $0xb8;
	[tilespmem:$0x1D000] =	vst v63  }
0x191: {  	_ =	swait.ge [sflag:s16], $0x4000  }
0x192: {  	[sflag:s16] =	ssyncset.done $0x0  }
0x193: {  	[sflag:s16] =	ssyncadd.s32 $0xFFFFC000  }
0x194: {  	[tilespmem:s14], [sflag:$0x2] =	stream.indirect.gather [hbm4b:s4+s12], $0x80, s23, s12, $0xb8;
	[tilespmem:$0x1D000] =	vst v63  }
0x195: {  	_ =	swait.ge [sflag:s15], $0x4000  }
0x196: {  	[sflag:s15] =	ssyncset.done $0x0  }
0x197: {  	[sflag:s15] =	ssyncadd.s32 $0xFFFFC000  }
0x198: {  	[spmem:s2] =	stream.indirect.scatter.add.f32 [tilespmem:s13], [sflag:$0x1], $0x80, s24, s12, $0xb8;
	[tilespmem:$0x1D000] =	vst v63  }
0x199: {  	_ =	swait.ge [sflag:s16], $0x4000  }
0x19a: {  	[sflag:s16] =	ssyncset.done $0x0  }
0x19b: {  	[sflag:s16] =	ssyncadd.s32 $0xFFFFC000  }
0x19c: {  	[spmem:s2] =	stream.indirect.scatter.add.f32 [tilespmem:s14], [sflag:$0x2], $0x80, s25, s12, $0xb8;
	[tilespmem:$0x1D000] =	vst v63  }
0x19d: {  	_ =	swait.ge [sflag:s15], $0x4000  }
0x19e: {  	[sflag:s15] =	ssyncset.done $0x0  }
0x19f: {  	[sflag:s15] =	ssyncadd.s32 $0xFFFFC000  }
0x1a0: {  	[tilespmem:s13], [sflag:$0x1] =	stream.indirect.gather [hbm4b:s4+s12], $0x80, s26, s12, $0xb8;
	[tilespmem:$0x1D000] =	vst v63  }
0x1a1: {  	_ =	swait.ge [sflag:s16], $0x4000  }
0x1a2: {  	[sflag:s16] =	ssyncset.done $0x0  }
0x1a3: {  	[sflag:s16] =	ssyncadd.s32 $0xFFFFC000  }
0x1a4: {  	[tilespmem:s14], [sflag:$0x2] =	stream.indirect.gather [hbm4b:s4+s12], $0x80, s28, s12, $0xb8;
	[tilespmem:$0x1D000] =	vst v63  }
0x1a5: {  	_ =	swait.ge [sflag:s15], $0x4000  }
0x1a6: {  	[sflag:s15] =	ssyncset.done $0x0  }
0x1a7: {  	[sflag:s15] =	ssyncadd.s32 $0xFFFFC000  }
0x1a8: {  	[spmem:s2] =	stream.indirect.scatter.add.f32 [tilespmem:s13], [sflag:$0x1], $0x80, s29, s12, $0xb8;
	[tilespmem:$0x1D000] =	vst v63  }
0x1a9: {  	_ =	swait.ge [sflag:s16], $0x4000  }
0x1aa: {  	[sflag:s16] =	ssyncset.done $0x0  }
0x1ab: {  	[sflag:s16] =	ssyncadd.s32 $0xFFFFC000  }
0x1ac: {  	[spmem:s2] =	stream.indirect.scatter.add.f32 [tilespmem:s14], [sflag:$0x2], $0x80, s30, s12, $0xb8;
	[tilespmem:$0x1D000] =	vst v63  }
0x1ad: {  	_ =	swait.ge [sflag:s15], $0x4000  }
0x1ae: {  	[sflag:s15] =	ssyncset.done $0x0  }
0x1af: {  	[sflag:s15] =	ssyncadd.s32 $0xFFFFC000  }
0x1b0: {  	[tilespmem:s13], [sflag:$0x1] =	stream.indirect.gather [hbm4b:s4+s12], $0x80, s31, s12, $0xb8;
	[tilespmem:$0x1D000] =	vst v63  }
0x1b1: {  	_ =	swait.ge [sflag:s16], $0x4000  }
0x1b2: {  	[sflag:s16] =	ssyncset.done $0x0  }
0x1b3: {  	[sflag:s16] =	ssyncadd.s32 $0xFFFFC000  }
0x1b4: {  	[tilespmem:s14], [sflag:$0x2] =	stream.indirect.gather [hbm4b:s4+s12], $0x80, s0, s12, $0xb8;
	[tilespmem:$0x1D000] =	vst v63  }
0x1b5: {  	_ =	swait.ge [sflag:s15], $0x4000  }
0x1b6: {  	[sflag:s15] =	ssyncset.done $0x0  }
0x1b7: {  	[sflag:s15] =	ssyncadd.s32 $0xFFFFC000  }
0x1b8: {  	[spmem:s2] =	stream.indirect.scatter.add.f32 [tilespmem:s13], [sflag:$0x1], $0x80, s1, s12, $0xb8;
	[tilespmem:$0x1D000] =	vst v63  }
0x1b9: {  	_ =	swait.ge [sflag:s16], $0x4000  }
0x1ba: {  	[sflag:s16] =	ssyncset.done $0x0  }
0x1bb: {  	[sflag:s16] =	ssyncadd.s32 $0xFFFFC000  }
0x1bc: {  	[spmem:s2] =	stream.indirect.scatter.add.f32 [tilespmem:s14], [sflag:$0x2], $0x80, s5, s12, $0xb8;
	[tilespmem:$0x1D000] =	vst v63  }
0x1bd: {  	_ =	swait.ge [sflag:s15], $0x4000  }
0x1be: {  	[sflag:s15] =	ssyncset.done $0x0  }
0x1bf: {  	[sflag:s15] =	ssyncadd.s32 $0xFFFFC000  }
0x1c0: {  	_ =	swait.ge [sflag:s16], $0x4000  }
0x1c1: {  	[sflag:s16] =	ssyncset.done $0x0  }
0x1c2: {  	[sflag:s16] =	ssyncadd.s32 $0xFFFFC000  }
0x1c3: {  	[bflag:$0x0] =	sbarrier.arrive $0xFFFF  }
0x1c4: {  	s7 =	rddreg [dreg:$0x12]  }
0x1c5: {  	s9 =	rddreg [dreg:$0x13]  }
0x1c6: {  	s8 =	rddreg [dreg:$0x15]  }
0x1c7: {  	[hbm:s9], [sflag:s7] =	dma.local [spmem:s8], $0x2800  }
0x1c8: {  	_ =	swait.ge [sflag:s10], $0x2800  }
0x1c9: {  	s6 =	rddreg [dreg:$0x16]  }
0x1ca: {  	s9 =	sadd.s32 $0x1, s6;
	s6 =	rddreg [dreg:$0x14]  }
0x1cb: {  	p0 =	sne.s32 s9, s6  }
.Ltmp1:
0x1cc: {  	_ = 	snop;
	(pc) =	sbr.rel @p0 .LBB2_1-.Ltmp1, $3  }
0x1cd: {  	_ =	sdelay $0x1  }
0x1ce: {  	[sflag:s10] =	ssyncset.done $0x0  }
0x1cf: {  	[sflag:s10] =	ssyncadd.s32 $0xFFFFD800  }
0x1d0: {  	_ =	sfence.sel $0x180000  }
0x1d1: {  	[bflag:$0x0] =	sbarrier.arrive $0xFFFF  }
0x1d2: {  	_ =	strace $0x9000004D  }
0x1d3: {  	s0 =	stileid.u32;
	[bflag:$0x2] =	sbarrier.arrive $0xFFFF  }
0x1d4: {  	p0 =	sne.s32 s0, $0x0;
	s0 =	rddreg [dreg:$0x2]  }
0x1d5: {  	s0 =	sadd.s32 @!p0 $0x100000, s0  }
0x1d6: {  	[sflag:s0] =	ssyncadd.tile.s32 @!p0 $0x1;
	_ =	shalt  }
.Lfunc_end2:
_tile_overlayer_lowered:
.L_overlay_start_2:
0x1d7: {  	(tag) =	ssettag $0x2  }
0x1d8: {  	s0 =	rddreg [dreg:$0x0];
	s2 =	stileid.u32  }
0x1d9: {  	s1 =	rddreg [dreg:$0x1];
	p0 =	sne.s32 s2, $0x0  }
0x1da: {  	s3 =	rddreg [dreg:$0x2];
	[bflag:$0x3] =	sbarrier.arrive $0xFFFF;
	s2 =	simm.s32 @!p0 $0x1C03  }
0x1db: {  	[timem:s3], [sflag:s2] =	dma.local @!p0 [hbm:s0], s1  }
0x1dc: {  	s0 =	simm.s32 @!p0 $0x3  }
0x1dd: {  	_ =	swait.ge @!p0 [sflag:s0], s1  }
0x1de: {  	s1 =	ssub.s32 @!p0 $0x0, s1;
	[sflag:s0] =	ssyncset.done @!p0 $0x0  }
0x1df: {  	[sflag:s0] =	ssyncadd.s32 @!p0 s1  }
0x1e0: {  	[bflag:$0x3] =	sbarrier.arrive $0xFFFF  }
0x1e1: {  	_ =	shalt  }

// kernel: kernel.8.cloned.1.call-start
scs
__scs_entry_jumppad:
0x0: {  	(pc) =	sbr.rel $0x88, $3  }
0x1: {  	(tag) =	ssettag $0x0;
	lr =	simm.s32 $0x1  }
0x2: {  	[smem:$0x3F99] =	sst lr;
	_ =	strace $0xD0000000  }
0x3: {  	_ = 	snop  }
0x4: {  	_ = 	snop  }
0x5: {  	_ = 	snop  }
0x6: {  	_ = 	snop  }
0x7: {  	_ = 	snop  }
__scs_overlays_trampoline_lowered:
0x8: {  	[smem:$0x3FA8] =	sst s0  }
0x9: {  	[smem:$0x3FA9] =	sst s1  }
0xa: {  	[smem:$0x3FAA] =	sst s2  }
0xb: {  	[smem:$0x3FAB] =	sst s3  }
0xc: {  	[smem:$0x3FAC] =	sst s4  }
0xd: {  	[smem:$0x3FAD] =	sst s5  }
0xe: {  	[smem:$0x3FAE] =	sst s6  }
0xf: {  	[smem:$0x3FAF] =	sst s7  }
0x10: {  	[smem:$0x3FB0] =	sst s8  }
0x11: {  	[smem:$0x3FB1] =	sst s9;
	s0 =	simm.s32 @!p0 $0x0  }
0x12: {  	s1 =	sld [smem:$0x3F97];
	s0 =	simm.s32 @p0 $0x1  }
0x13: {  	[smem:$0x3FB2] =	sst s0;
	s0 =	simm.s32 @!p1 $0x0  }
0x14: {  	s2 =	sld [smem:$0x3F96];
	s0 =	simm.s32 @p1 $0x1  }
0x15: {  	[smem:$0x3FB3] =	sst s0;
	s0 =	simm.s32 @!p2 $0x0  }
0x16: {  	s3 =	sld [smem:$0x3FDB];
	s0 =	simm.s32 @p2 $0x1  }
0x17: {  	s4 =	simm.s32 $0x1BF5;
	[smem:$0x3FB5] =	sst s0  }
0x18: {  	s0 =	sld [smem:$0x3F98];
	_ =	swait.ge [sflag:s4], $0x0  }
0x19: {  	s7 =	sld [smem:$0x3F99]  }
0x1a: {  	s8 =	sadd.s32 $0xFFFFE003, lr  }
0x1b: {  	s9 =	sadd.s32 $0xFFFFFEF7, lr;
	s5 =	simm.s32 $0xFFFFFFFF;
	p2 =	slt.u32 s8, $0xFFFFF086  }
0x1c: {  	p1 =	slt.u32 s9, $0xF7A;
	s5 =	simm.s32 @!p2 $0x0  }
0x1d: {  	s5 =	simm.s32 @p1 $0x1;
	p0 =	seq.s32 s7, s2  }
0x1e: {  	s7 =	smul.u32 @!p0 $0xF7A, s2;
	p2 =	seq.s32 @!p0 s5, $0x0  }
0x1f: {  	s9 =	smul.u32 $0xF7A, s1;
	s8 =	simm.s32 @!p0 $0x1BF5;
	p2 =	por !p2, p0  }
0x20: {  	[sflag:s8] =	ssyncset.s32 @!p0 $0xFFFFF086;
	s6 =	sadd.s32 @!p0 s3, s7;
	s7 =	simm.s32 @!p0 $0x108  }
0x21: {  	s3 =	sadd.s32 s3, s9;
	s6 =	sadd.s32 @!p0 $0x88, s6;
	s7 =	simm.s32 @p2 $0x1082  }
0x22: {  	[simem:s7], [sflag:s8] =	dma.local @!p0 [hbm:s6], $0xF7A  }
0x23: {  	s9 =	sor.u32 $0xD0000000, s2;
	s6 =	simm.s32 $0x108;
	_ =	swait.ge @!p0 [sflag:s8], $0x0  }
0x24: {  	s3 =	sadd.s32 $0x88, s3;
	s6 =	simm.s32 @!p1 $0x1082;
	[sflag:s4] =	ssyncset.s32 $0xFFFFF086  }
0x25: {  	[simem:s6], [sflag:s4] =	dma.local [hbm:s3], $0xF7A  }
0x26: {  	[smem:$0x3F99] =	sst s1;
	(tag) =	ssettag s2;
	_ =	strace s9  }
0x27: {  	s1 =	sld [smem:$0x3FA9]  }
0x28: {  	s2 =	sld [smem:$0x3FAA]  }
0x29: {  	s4 =	sld [smem:$0x3FAC]  }
0x2a: {  	p0 =	seq.s32 s5, $0x0;
	s5 =	sld [smem:$0x3FAD]  }
0x2b: {  	s6 =	sld [smem:$0x3FAE]  }
0x2c: {  	s7 =	sld [smem:$0x3FAF]  }
0x2d: {  	s3 =	simm.s32 $0x108;
	s8 =	sld [smem:$0x3FB0]  }
0x2e: {  	s3 =	simm.s32 @!p0 $0x1082;
	s9 =	sld [smem:$0x3FB1]  }
0x2f: {  	lr =	sadd.s32 s0, s3;
	s0 =	sld [smem:$0x3FA8]  }
0x30: {  	s3 =	sld [smem:$0x3FAB]  }
0x31: {  	[smem:$0x3FB4] =	sst s10  }
0x32: {  	s10 =	sld [smem:$0x3FB2];
	_ =	sdelay $0x3  }
0x33: {  	p0 =	seq.s32 s10, $0x1;
	s10 =	sld [smem:$0x3FB4];
	_ =	sdelay $0x3  }
0x34: {  	[smem:$0x3FB4] =	sst s10  }
0x35: {  	s10 =	sld [smem:$0x3FB3];
	_ =	sdelay $0x3  }
0x36: {  	p1 =	seq.s32 s10, $0x1;
	s10 =	sld [smem:$0x3FB4];
	_ =	sdelay $0x3  }
0x37: {  	[smem:$0x3FB4] =	sst s10  }
0x38: {  	s10 =	sld [smem:$0x3FB5]  }
0x39: {  	_ = 	snop;
	(pc) =	sbr.ind lr, $3  }
0x3a: {  	_ = 	snop  }
0x3b: {  	_ = 	snop  }
0x3c: {  	p2 =	seq.s32 s10, $0x1;
	s10 =	sld [smem:$0x3FB4]  }
0x3d: {  	_ =	shalt  }
0x3e: {  	_ =	shalt  }
0x3f: {  	_ =	shalt  }
0x40: {  	_ =	shalt  }
0x41: {  	_ =	shalt  }
0x42: {  	_ =	shalt  }
0x43: {  	_ =	shalt  }
0x44: {  	_ =	shalt  }
0x45: {  	_ =	shalt  }
0x46: {  	_ =	shalt  }
0x47: {  	_ =	shalt  }
0x48: {  	_ =	shalt  }
0x49: {  	_ =	shalt  }
0x4a: {  	_ =	shalt  }
0x4b: {  	_ =	shalt  }
0x4c: {  	_ =	shalt  }
0x4d: {  	_ =	shalt  }
0x4e: {  	_ =	shalt  }
0x4f: {  	_ =	shalt  }
0x50: {  	_ =	shalt  }
0x51: {  	_ =	shalt  }
0x52: {  	_ =	shalt  }
0x53: {  	_ =	shalt  }
0x54: {  	_ =	shalt  }
0x55: {  	_ =	shalt  }
0x56: {  	_ =	shalt  }
0x57: {  	_ =	shalt  }
0x58: {  	_ =	shalt  }
0x59: {  	_ =	shalt  }
0x5a: {  	_ =	shalt  }
0x5b: {  	_ =	shalt  }
0x5c: {  	_ =	shalt  }
0x5d: {  	_ =	shalt  }
0x5e: {  	_ =	shalt  }
0x5f: {  	_ =	shalt  }
0x60: {  	_ =	shalt  }
0x61: {  	_ =	shalt  }
0x62: {  	_ =	shalt  }
0x63: {  	_ =	shalt  }
0x64: {  	_ =	shalt  }
0x65: {  	_ =	shalt  }
0x66: {  	_ =	shalt  }
0x67: {  	_ =	shalt  }
0x68: {  	_ =	shalt  }
0x69: {  	_ =	shalt  }
0x6a: {  	_ =	shalt  }
0x6b: {  	_ =	shalt  }
0x6c: {  	_ =	shalt  }
0x6d: {  	_ =	shalt  }
0x6e: {  	_ =	shalt  }
0x6f: {  	_ =	shalt  }
0x70: {  	_ =	shalt  }
0x71: {  	_ =	shalt  }
0x72: {  	_ =	shalt  }
0x73: {  	_ =	shalt  }
0x74: {  	_ =	shalt  }
0x75: {  	_ =	shalt  }
0x76: {  	_ =	shalt  }
0x77: {  	_ =	shalt  }
0x78: {  	_ =	shalt  }
0x79: {  	_ =	shalt  }
0x7a: {  	_ =	shalt  }
0x7b: {  	_ =	shalt  }
0x7c: {  	_ =	shalt  }
0x7d: {  	_ =	shalt  }
0x7e: {  	_ =	shalt  }
0x7f: {  	_ =	shalt  }
0x80: {  	_ =	shalt  }
0x81: {  	_ =	shalt  }
0x82: {  	_ =	shalt  }
0x83: {  	_ =	shalt  }
0x84: {  	_ =	shalt  }
0x85: {  	_ =	shalt  }
0x86: {  	_ =	shalt  }
0x87: {  	_ =	shalt  }
.Lfunc_end0:
.L_simem_size_0:
called_computation_lowered:
.L_overlay_start_0:
0x88: {  	s2 =	sld [smem:$0x3FD9]  }
0x89: {  	s3 =	sld [smem:$0x3FFE];
	_ =	sdelay $0x1  }
0x8a: {  	s1 =	srdreg.scid  }
0x8b: {  	s0 =	sand.u32 $0x1, s1  }
0x8c: {  	s17 =	sshll.u32 s0, $0xA;
	s2 =	sadd.s32 s3, s2  }
0x8d: {  	s2 =	sadd.s32 s2, s17  }
0x8e: {  	[smem:$0x3FC0] =	sst s2  }
0x8f: {  	_ = 	snop  }
0x90: {  	s2 =	sld [smem:$0x3FD0];
	(tm) =	ssettm $0x1  }
0x91: {  	s18 =	sld [smem:$0x3FFB];
	_ =	sdelay $0x3  }
0x92: {  	_ =	strace s18  }
0x93: {  	s3 =	sld [smem:$0x3FFC];
	_ =	sdelay $0x3  }
0x94: {  	_ =	strace s3  }
0x95: {  	s3 =	sld [smem:$0x3FFD];
	_ =	sdelay $0x3  }
0x96: {  	_ =	strace s3  }
0x97: {  	_ =	strace $0x8FFFFFFF  }
0x98: {  	s19 =	sld [smem:$0x3FDB];
	_ =	sdelay $0x1  }
0x99: {  	s4 =	simm.s32 $_scs_section_size  }
0x9a: {  	s5 =	simm.s32 $_size__tile_overlayer_lowered;
	s6 =	simm.s32 $_tile_overlayer_lowered  }
0x9b: {  	s22 =	simm.s32 $0x1BFF;
	s21 =	sshll.u32 s6, $0x1;
	s3 =	sadd.s32 s4, s19  }
0x9c: {  	s7 =	simm.s32 $0x0;
	s20 =	sshll.u32 s5, $0x1;
	s5 =	sadd.s32 s21, s3  }
0x9d: {  	[timem:s7], [sflag:s22] =	dma.local [hbm:s5], s20  }
0x9e: {  	_ =	swait.ge [sflag:s22], s20  }
0x9f: {  	s4 =	ssub.s32 $0x0, s20;
	[sflag:s22] =	ssyncset.done $0x0  }
0xa0: {  	[sflag:s22] =	ssyncadd.s32 s4;
	_ =	sdelay $0x1  }
0xa1: {  	s23 =	simm.s32 $0x1B8B  }
0xa2: {  	_ =	swait.ge [sflag:s23], $0x1  }
0xa3: {  	[sflag:s23] =	ssyncset.done $0x0  }
0xa4: {  	s25 =	simm.s32 $0x1B8E;
	s24 =	sld [smem:$0x3FFE];
	[sflag:s23] =	ssyncadd.s32 $0xFFFFFFFF  }
0xa5: {  	s26 =	simm.s32 $execute0_lowered;
	[smem:$0x3FD2] =	sst s25  }
0xa6: {  	s5 =	sshll.u32 s26, $0x1;
	_ =	strace $0x80000046;
	[dreg:$0x1] =	wrdreg $0xFFFFFFFF  }
0xa7: {  	s28 =	simm.s32 $_size_execute0_lowered;
	s3 =	sadd.s32 s3, s5;
	[dreg:$0x0] =	wrdreg $0x0  }
0xa8: {  	s5 =	sshll.u32 s28, $0x1;
	[dreg:$0x2] =	wrdreg s3  }
0xa9: {  	[dreg:$0x3] =	wrdreg s5  }
0xaa: {  	[dreg:$0x4] =	wrdreg $0xC0  }
0xab: {  	_ =	task [dreg:s7], $0x5FFFF  }
0xac: {  	[dreg:$0x1] =	wrdreg $0xFFFFFFFF  }
0xad: {  	[dreg:$0x0] =	wrdreg $0x60  }
0xae: {  	[dreg:$0x2] =	wrdreg s24  }
0xaf: {  	[dreg:$0x3] =	wrdreg s2  }
0xb0: {  	[dreg:$0x4] =	wrdreg $0x50800  }
0xb1: {  	[dreg:$0x5] =	wrdreg $0x9  }
0xb2: {  	_ =	task.clear_ibuf [dreg:s7], $0x6FFFF;
	_ =	strace $0x90000046  }
0xb3: {  	s29 =	simm.s32 $0x9;
	_ =	strace $0x80000048  }
0xb4: {  	_ =	swait.ge [sflag:s29], $0x1  }
0xb5: {  	[sflag:s29] =	ssyncadd.s32 $0xFFFFFFFF  }
0xb6: {  	_ =	strace $0x90000048  }
0xb7: {  	_ =	sfence  }
0xb8: {  	s30 =	sld [smem:$0x0];
	_ =	sdelay $0x2  }
0xb9: {  	s31 =	sshll.u32 s1, $0xD;
	s1 =	sshrl.u32 s1, $0x2  }
0xba: {  	s3 =	sand.u32 $0x4000, s31;
	s1 =	sadd.s32 s1, s30  }
0xbb: {  	s0 =	sor.u32 s3, s0;
	s1 =	sshll.u32 s1, $0x11  }
0xbc: {  	s0 =	sor.u32 s1, s0  }
0xbd: {  	s0 =	sadd.s32 $0x8F2B, s0  }
0xbe: {  	[sflag:s0] =	ssyncadd.remote.s32 $0x1  }
0xbf: {  	_ =	sfence.sel $0xFFFF  }
0xc0: {  	[dreg:$0x0] =	wrdreg $0xFFFFFFFF;
	(pc) =	sbr.abs _section_cstart, $3  }
0xc1: {  	[dreg:$0x1] =	wrdreg $0xFFFFFFFF  }
0xc2: {  	_ =	task.clear_ibuf [dreg:s7], $0x2FFFF;
	_ =	strace $0x9FFFFFFF  }
0xc3: {  	(tm) =	ssettm $0x7FFFFFFF  }
tec
execute0_lowered:
.L_overlay_start_1:
0x0: {  	(tag) =	ssettag $0x1  }
0x1: {  	s6 =	rddreg [dreg:$0x0]  }
0x2: {  	s0 =	srdreg.scid;
	s2 =	rddreg [dreg:$0x1]  }
0x3: {  	s3 =	rddreg [dreg:$0x2];
	s5 =	sand.u32 $0x1, s0  }
0x4: {  	s0 =	stileid.u32;
	s7 =	smul.u32 $0xA000, s5  }
0x5: {  	s1 =	rddreg [dreg:$0x3];
	s4 =	simm.s32 $0x0;
	s8 =	smul.u32 $0xA00, s0  }
0x6: {  	s13 =	simm.s32 $0x80;
	[smem:$0x7FF] =	sst s4;
	s9 =	smul.u32 $0x280, s0  }
0x7: {  	s14 =	simm.s32 $0x0;
	s10 =	smul.u32 $0x2800, s5;
	_ =	strace $0x80000047  }
0x8: {  	s30 =	ssub.s32 $0x2, s5;
	s5 =	sadd.s32 $0x34600, s6;
	s11 =	sshll.u32 s0, $0x6  }
0x9: {  	s31 =	sshrl.u32 s30, $0x1;
	s11 =	sor.u32 $0x1C01, s11;
	s7 =	sadd.s32 s8, s7  }
0xa: {  	s29 =	sadd.s32 s9, s10;
	s10 =	ssub.s32 s30, s31;
	s12 =	sadd.s32 s9, s3  }
0xb: {  	s9 =	simm.s32 $0x5000;
	s7 =	sadd.s32 s7, s6;
	s8 =	sshrl.u32 s29, $0x3  }
0xc: {  	s12 =	sshrl.u32 s12, $0x3;
	s8 =	sadd.s32 s8, s6;
	s6 =	sadd.s32 $0xC600, s7  }
0xd: {  	s7 =	sadd.s32 $0x34800, s8;
	s8 =	smax.u32 s10, $0x1;
	s10 =	simm.s32 $0x1  }
.LBB2_1:
0xe: {  	[tilespmem:s9], [sflag:$0x1] =	stream.linear.gather [hbm4b:s2+s4], $0x80, $0x38;
	[tilespmem:$0x5300] =	vst v63  }
0xf: {  	_ =	swait.ge [sflag:s10], $0x80  }
0x10: {  	[sflag:s10] =	ssyncset.done $0x0  }
0x11: {  	[sflag:s10] =	ssyncadd.s32 $0xFFFFFF80  }
0x12: {  	[spmem:s12], [sflag:s11] =	dma.local [hbm:s5], $0x50  }
0x13: {  	_ =	swait.ge [sflag:s10], $0x50  }
0x14: {  	[sflag:s10] =	ssyncset.done $0x0  }
0x15: {  	[sflag:s10] =	ssyncadd.s32 $0xFFFFFFB0  }
0x16: {  	[tilespmem:s4], [sflag:$0x1] =	stream.linear.gather [hbm4b:s6+s4], $0x5000, $0x38;
	[tilespmem:$0x5300] =	vst v63  }
0x17: {  	_ =	swait.ge [sflag:s10], $0x5000  }
0x18: {  	[sflag:s10] =	ssyncset.done $0x0  }
0x19: {  	[sflag:s10] =	ssyncadd.s32 $0xFFFFB000  }
0x1a: {  	s15 =	simm.s32 $0x0;
	[bflag:$0x0] =	sbarrier.arrive $0xFFFF  }
0x1b: {  	[spmem:s3] =	stream.indirect.scatter.add.f32 [tilespmem:s9], [sflag:$0x1], $0x1, s15, s13, $0xb8;
	[tilespmem:$0x5300] =	vst v63  }
0x1c: {  	_ =	swait.ge [sflag:s10], $0x80  }
0x1d: {  	s15 =	simm.s32 $0x200;
	[sflag:s10] =	ssyncset.done $0x0  }
.LBB2_2:
0x1e: {  	s16 =	sshra.s32 s15, $0x2;
	[sflag:s10] =	ssyncadd.s32 $0xFFFFFF80;
	p0 =	sne.s32 s15, $0x13E00  }
0x1f: {  	[spmem:s3] =	stream.indirect.scatter.add.f32 [tilespmem:s9], [sflag:$0x1], $0x1, s16, s13, $0xb8;
	[tilespmem:$0x5300] =	vst v63  }
.Ltmp0:
0x20: {  	_ = 	snop;
	(pc) =	sbr.rel @p0 .LBB2_2-.Ltmp0, $4  }
0x21: {  	_ = 	snop  }
0x22: {  	s15 =	sadd.s32 $0x200, s15  }
0x23: {  	_ =	swait.ge [sflag:s10], $0x80  }
0x24: {  	[sflag:s10] =	ssyncset.done $0x0  }
0x25: {  	s14 =	sadd.s32 $0x1, s14  }
0x26: {  	[sflag:s10] =	ssyncadd.s32 $0xFFFFFF80;
	p0 =	sne.s32 s14, s8  }
.Ltmp1:
0x27: {  	[bflag:$0x0] =	sbarrier.arrive $0xFFFF;
	(pc) =	sbr.rel @p0 .LBB2_1-.Ltmp1, $4  }
0x28: {  	[hbm:s7], [sflag:s11] =	dma.local [spmem:s12], $0x50  }
0x29: {  	_ =	swait.ge [sflag:s10], $0x50  }
0x2a: {  	[sflag:s10] =	ssyncset.done $0x0  }
0x2b: {  	[sflag:s10] =	ssyncadd.s32 $0xFFFFFFB0  }
0x2c: {  	_ =	sfence.sel $0x180000  }
0x2d: {  	[bflag:$0x0] =	sbarrier.arrive $0xFFFF  }
0x2e: {  	p0 =	sne.s32 s0, $0x0;
	_ =	strace $0x90000047  }
0x2f: {  	s0 =	sadd.s32 @!p0 $0x100000, s1;
	[bflag:$0x2] =	sbarrier.arrive $0xFFFF  }
0x30: {  	[sflag:s0] =	ssyncadd.tile.s32 @!p0 $0x1;
	_ =	shalt  }
.Lfunc_end2:
_tile_overlayer_lowered:
.L_overlay_start_2:
0x31: {  	(tag) =	ssettag $0x2  }
0x32: {  	s0 =	rddreg [dreg:$0x0];
	s2 =	stileid.u32  }
0x33: {  	s1 =	rddreg [dreg:$0x1];
	p0 =	sne.s32 s2, $0x0  }
0x34: {  	s3 =	rddreg [dreg:$0x2];
	[bflag:$0x3] =	sbarrier.arrive $0xFFFF;
	s2 =	simm.s32 @!p0 $0x1C01  }
0x35: {  	[timem:s3], [sflag:s2] =	dma.local @!p0 [hbm:s0], s1  }
0x36: {  	s0 =	simm.s32 @!p0 $0x1  }
0x37: {  	_ =	swait.ge @!p0 [sflag:s0], s1  }
0x38: {  	s1 =	ssub.s32 @!p0 $0x0, s1;
	[sflag:s0] =	ssyncset.done @!p0 $0x0  }
0x39: {  	[sflag:s0] =	ssyncadd.s32 @!p0 s1  }
0x3a: {  	[bflag:$0x3] =	sbarrier.arrive $0xFFFF  }
0x3b: {  	_ =	shalt  }

</sc_bundles>
